<compile_context>
chip_gen: v7x
topology: tpu7x:2x2x1
jax: 0.10.2.dev20260603
libtpu: 0.0.44.dev20260713+nightly
codegen_flags: <defaults>
</compile_context>

<pallas_src>
import functools
import math

import jax
import jax.numpy as jnp
import numpy as np
from jax import lax
from jax.experimental import pallas as pl
from jax.experimental.pallas import tpu as pltpu
from jax.experimental.pallas import tpu_sc as plsc
from jax.scipy.special import digamma

N_NODES = 200
N_BATCH = 64
N_EDGES = N_NODES * N_NODES
N_BLOCK = 2
N_FEAT = 5
N_HID = 128
N_OUT = 3
ALPHA = 0.1
KDIV = 2
TEMP = 0.6
N_TRIL = N_NODES * (N_NODES + 1) // 2

_e = np.arange(N_EDGES)
_r, _c = _e // N_NODES, _e % N_NODES
_mx, _mn = np.maximum(_r, _c), np.minimum(_r, _c)
_IDX_NP = (_mx * (_mx + 1) // 2 + _mn).astype(np.int32)

_TRIL_PAD = ((N_TRIL + 7) // 8) * 8


def _sc_gather_build(n_out_pad, chunk, nc, ns):
    mesh = plsc.VectorSubcoreMesh(core_axis_name="c", subcore_axis_name="s")

    @functools.partial(
        pl.kernel,
        mesh=mesh,
        compiler_params=pltpu.CompilerParams(needs_layout_passes=False),
        out_type=jax.ShapeDtypeStruct((n_out_pad,), jnp.float32),
        scratch_types=[
            pltpu.VMEM((_TRIL_PAD,), jnp.float32),
            pltpu.VMEM((chunk,), jnp.int32),
            pltpu.VMEM((chunk,), jnp.float32),
            pltpu.VMEM_SHARED((_TRIL_PAD,), jnp.float32),
        ],
    )
    def sc_gather(t_hbm, idx_hbm, out_hbm, t_v, idx_v, out_v, t_sh):
        sid = lax.axis_index("s")
        wid = sid * nc + lax.axis_index("c")
        base = wid * chunk

        @pl.when(sid == 0)
        def _():
            pltpu.sync_copy(t_hbm, t_sh)

        plsc.subcore_barrier()
        pltpu.sync_copy(t_sh, t_v)
        pltpu.sync_copy(idx_hbm.at[pl.ds(base, chunk)], idx_v)
        for i in range(chunk // 16):
            idx16 = idx_v[pl.ds(i * 16, 16)]
            out_v[pl.ds(i * 16, 16)] = plsc.load_gather(t_v, [idx16])
        pltpu.sync_copy(out_v, out_hbm.at[pl.ds(base, chunk)])

    return sc_gather


def _fused_body(ew_ref, un0_ref, un1a_ref, un1b_ref, x_ref,
                au0_ref, bu0_ref, u0_ref, au1_ref, bu1_ref, u1_ref,
                lw_ref, lb_ref, keep_ref, fw_ref, fb_ref, out_ref):

    def softplus(v):
        return jnp.logaddexp(v, 0.0)

    def logits_of(au, bu, u):
        a = softplus(jnp.clip(au, -10.0, None))
        b = softplus(jnp.clip(bu, -10.0, 50.0))
        uc = jnp.clip(u, 1e-6, 1.0 - 1e-6)
        t = jnp.exp(jnp.log(uc) / b)
        pi = jnp.exp(jnp.log1p(-t) / a)
        return jnp.log(pi) - jnp.log1p(-pi)

    def mask_of(un, logit):
        unc = jnp.clip(un, 1e-6, 1.0 - 1e-6)
        return jax.nn.sigmoid((logit + jnp.log(unc) - jnp.log1p(-unc)) / TEMP)

    def dT(p, y):
        return lax.dot_general(p, y, (((0,), (0,)), ((), ())),
                               precision=lax.Precision.DEFAULT,
                               preferred_element_type=jnp.float32)

    ew = ew_ref[...]
    aew = jnp.abs(ew)
    deg_r = jnp.sum(aew, axis=1, keepdims=True)
    deg_c = jnp.sum(aew, axis=0, keepdims=True)
    dis_r = jnp.where(deg_r > 0, lax.rsqrt(jnp.where(deg_r > 0, deg_r, 1.0)), 0.0)
    dis_c = jnp.where(deg_c > 0, lax.rsqrt(jnp.where(deg_c > 0, deg_c, 1.0)), 0.0)
    A = (dis_r * ew) * dis_c

    l0 = logits_of(au0_ref[0, 0], bu0_ref[0, 0], u0_ref[0, 0])
    l1 = logits_of(au1_ref[0, 0], bu1_ref[0, 0], u1_ref[0, 0])
    m0 = mask_of(un0_ref[...], l0)
    m1a = mask_of(un1a_ref[...], l1)
    m1b = mask_of(un1b_ref[...], l1)

    xx = x_ref[...]
    c1 = 1.0 - ALPHA
    x1 = ALPHA * xx + (c1 / KDIV) * dT(m0 * A, xx)
    x2 = ALPHA * x1 + (c1 / KDIV) * dT(A, x1)
    o1 = ALPHA * x2 + (c1 / KDIV) * dT(m1a * A, x2)
    o2 = ALPHA * x2 + (c1 / KDIV) * dT(m1b * A, x2)

    def dot(a, b):
        return lax.dot_general(a, b, (((1,), (0,)), ((), ())),
                               precision=lax.Precision.DEFAULT,
                               preferred_element_type=jnp.float32)

    lw = lw_ref[...]
    lb = lb_ref[...]
    fw = fw_ref[...]
    fb = fb_ref[...]
    keep = keep_ref[...]
    ng = 8
    rows = ng * N_NODES
    col = lax.broadcasted_iota(jnp.int32, (ng, rows), 1)
    row = lax.broadcasted_iota(jnp.int32, (ng, rows), 0)
    P = (col // N_NODES == row).astype(jnp.float32)
    for g in range(N_BATCH // ng):
        o1g = jnp.concatenate(
            [o1[:, b * N_FEAT:(b + 1) * N_FEAT]
             for b in range(g * ng, (g + 1) * ng)], axis=0)
        o2g = jnp.concatenate(
            [o2[:, b * N_FEAT:(b + 1) * N_FEAT]
             for b in range(g * ng, (g + 1) * ng)], axis=0)
        u = jnp.maximum(dot(o1g, lw) + lb, 0.0)
        v = dot(o2g, lw) + lb
        s = jnp.maximum(u + v, 0.0)
        pooled = dot(P, s)
        pooled = pooled * keep[g * ng:(g + 1) * ng, :] * 2.0
        out_ref[g * ng:(g + 1) * ng, :] = dot(pooled, fw) + fb


def _get_reg(a_uc, b_uc, alpha_p=0.8):
    a = jnp.logaddexp(jnp.clip(a_uc, -10.0, None), 0.0)
    b = jnp.logaddexp(jnp.clip(b_uc, -10.0, 50.0), 0.0)
    kld = (1.0 - alpha_p / a) * (-0.577215664901532 - digamma(b) - 1.0 / b) \
        + jnp.log(a * b + 1e-10) - math.log(alpha_p) - (b - 1.0) / b
    return kld.sum()



_U32 = np.uint32


def _np_rotl(x, d):
    return ((x << _U32(d)) | (x >> _U32(32 - d))).astype(_U32)


def _np_threefry_hash(k1, k2, x0, x1):
    ks0, ks1 = _U32(k1), _U32(k2)
    ks2 = _U32(ks0 ^ ks1 ^ _U32(0x1BD11BDA))
    r0 = (13, 15, 26, 6)
    r1 = (17, 29, 16, 24)
    x0 = (x0 + ks0).astype(_U32)
    x1 = (x1 + ks1).astype(_U32)
    ks = (ks0, ks1, ks2)
    schedule = ((r0, 1, 2, 1), (r1, 2, 0, 2), (r0, 0, 1, 3),
                (r1, 1, 2, 4), (r0, 2, 0, 5))
    for rots, i0, i1, c in schedule:
        for r in rots:
            x0 = (x0 + x1).astype(_U32)
            x1 = _np_rotl(x1, r)
            x1 = x1 ^ x0
        x0 = (x0 + ks[i0]).astype(_U32)
        x1 = (x1 + ks[i1] + _U32(c)).astype(_U32)
    return x0, x1


def _np_fold_in(key, data):
    hi, lo = _np_threefry_hash(key[0], key[1],
                               np.array([data >> 32], _U32),
                               np.array([data & 0xFFFFFFFF], _U32))
    return np.array([hi[0], lo[0]], _U32)


def _np_split2(key):
    bits1, bits2 = _np_threefry_hash(key[0], key[1],
                                     np.zeros(2, _U32),
                                     np.arange(2, dtype=_U32))
    return (np.array([bits1[0], bits2[0]], _U32),
            np.array([bits1[1], bits2[1]], _U32))


def _np_uniform(key, n):
    hi = np.zeros(n, _U32)
    lo = np.arange(n, dtype=np.uint64).astype(_U32)
    b1, b2 = _np_threefry_hash(key[0], key[1], hi, lo)
    bits = (b1 ^ b2).astype(_U32)
    fb = ((bits >> _U32(9)) | _U32(0x3F800000)).astype(_U32)
    return np.maximum(np.float32(0.0), fb.view(np.float32) - np.float32(1.0))


_RNG_CACHE = []


def _rng_constants():
    if not _RNG_CACHE:
        key = np.array([0, 42], _U32)
        k1, k2 = _np_split2(_np_fold_in(key, 0))
        u0 = _np_uniform(k1, 1)
        un0 = _np_uniform(k2, N_BLOCK * N_EDGES)
        k3, k4 = _np_split2(_np_fold_in(key, 1))
        u1 = _np_uniform(k3, 1)
        un1 = _np_uniform(k4, N_BLOCK * N_EDGES)
        keep = (_np_uniform(_np_fold_in(key, 99), N_BATCH * N_HID) <
                np.float32(0.5)).astype(np.float32).reshape(N_BATCH, N_HID)
        un0m = un0[:N_EDGES].reshape(N_NODES, N_NODES)
        un1a = un1[:N_EDGES].reshape(N_NODES, N_NODES)
        un1b = un1[N_EDGES:2 * N_EDGES].reshape(N_NODES, N_NODES)
        _RNG_CACHE.append((u0, u1, un0m, un1a, un1b, keep))
    return _RNG_CACHE[0]


def kernel(x, edge_index, batch_ids, edge_weight_tril, a_uc0, b_uc0, a_uc1,
           b_uc1, lin_W, lin_b, fc_W, fc_b):
    f32 = jnp.float32

    u0_np, u1_np, un0m_np, un1a_np, un1b_np, keep_np = _rng_constants()
    u0 = jnp.asarray(u0_np)
    u1 = jnp.asarray(u1_np)
    un0m = jnp.asarray(un0m_np)
    un1a = jnp.asarray(un1a_np)
    un1b = jnp.asarray(un1b_np)
    keep = jnp.asarray(keep_np)

    info = plsc.get_sparse_core_info()
    nw = info.num_cores * info.num_subcores
    chunk = ((N_EDGES + nw * 16 - 1) // (nw * 16)) * 16
    n_out_pad = chunk * nw
    idx = jnp.asarray(np.pad(_IDX_NP, (0, n_out_pad - N_EDGES)))
    t_pad = jnp.pad(edge_weight_tril.astype(f32), (0, _TRIL_PAD - N_TRIL))
    ew_flat = _sc_gather_build(n_out_pad, chunk, info.num_cores,
                               info.num_subcores)(t_pad, idx)
    ew = ew_flat[:N_EDGES].reshape(N_NODES, N_NODES)

    X = x.astype(f32).reshape(N_BATCH, N_NODES, N_FEAT).transpose(1, 0, 2) \
         .reshape(N_NODES, N_BATCH * N_FEAT)
    out = pl.pallas_call(
        _fused_body,
        out_shape=jax.ShapeDtypeStruct((N_BATCH, N_OUT), f32),
    )(ew, un0m, un1a, un1b, X,
      a_uc0.reshape(1, 1), b_uc0.reshape(1, 1), u0.reshape(1, 1),
      a_uc1.reshape(1, 1), b_uc1.reshape(1, 1), u1.reshape(1, 1),
      lin_W.astype(f32), lin_b.reshape(1, N_HID).astype(f32),
      keep, fc_W.astype(f32), fc_b.reshape(1, N_OUT).astype(f32))

    kld = 0.0 + _get_reg(a_uc0, b_uc0) + _get_reg(a_uc1, b_uc1)
    return out, kld

# --- scband reference (transcript-rebuilt; emitter-appended) ---
"""Pipeline reference for scband-cu-gcn-23493471109168 (READ-ONLY COPY).

The authoritative reference and input builder live on the scoring server;
editing this copy changes nothing except your own understanding.
"""

import jax, jax.numpy as jnp
import numpy as np
import math
from jax.scipy.special import digamma

NUM_NODES = 200
BATCH = 64
NUM_EDGES = NUM_NODES * NUM_NODES
NBLOCK = 2
NLAY = 2
NFEAT = 5
ALPHA = 0.1
K = 2
TEMP = 0.6
DROPOUT = 0.5


def softplus(v):
    return jnp.logaddexp(v, 0.0)


def gcn_norm(edge_index, n_total, edge_weight):
    # CU_GCN.norm: deg = scatter_add(|w|, row); w_norm = d^-1/2[row] * w * d^-1/2[col]
    # (edge_index is block-diagonal FULL adjacency incl. self loops, so
    #  add_remaining_self_loops is a no-op)
    row, col = edge_index[0], edge_index[1]
    deg = jnp.zeros((n_total,), dtype=edge_weight.dtype).at[row].add(jnp.abs(edge_weight))
    safe = jnp.where(deg > 0, deg, 1.0)
    dis = jnp.where(deg > 0, safe ** -0.5, 0.0)
    return dis[row] * edge_weight * dis[col]


def graph_conv(x, edge_index, norm_w):
    # GraphConvolution.forward: propagate with message norm[e]*x_j, then
    # emb = alpha*x + (1-alpha)*aggr/K  (SGConv lin is never applied in this forward)
    row, col = edge_index[0], edge_index[1]
    msg = norm_w[:, None] * x[row]
    aggr = jnp.zeros_like(x).at[col].add(msg)
    return ALPHA * x + (1.0 - ALPHA) * aggr / K


def sample_mask(a_uc, b_uc, num_samps, key):
    # BBEdge_pred.sample_pi + RelaxedBernoulli(temp=0.6).rsample([num_samps])
    a = softplus(jnp.clip(a_uc, -10.0, None))
    b = softplus(jnp.clip(b_uc, -10.0, 50.0))
    k1, k2 = jax.random.split(key)
    u = jnp.clip(jax.random.uniform(k1, (1,)), 1e-6, 1.0 - 1e-6)
    pi = (1.0 - u ** (1.0 / b)) ** (1.0 / a)
    un = jnp.clip(jax.random.uniform(k2, (num_samps, 1)), 1e-6, 1.0 - 1e-6)
    logits = jnp.log(pi) - jnp.log1p(-pi)
    z = jax.nn.sigmoid((logits + jnp.log(un) - jnp.log1p(-un)) / TEMP)
    return z[:, 0]


def get_reg(a_uc, b_uc, alpha_p=0.8, kl_scale=1.0):
    a = softplus(jnp.clip(a_uc, -10.0, None))
    b = softplus(jnp.clip(b_uc, -10.0, 50.0))
    kld = (1.0 - alpha_p / a) * (-0.577215664901532 - digamma(b) - 1.0 / b) \
        + jnp.log(a * b + 1e-10) - math.log(alpha_p) - (b - 1.0) / b
    return kl_scale * kld.sum()


def _forward(x, edge_index, batch_ids, edge_weight_tril, a_uc0, b_uc0, a_uc1, b_uc1,
             lin_W, lin_b, fc_W, fc_b):
    xs, ys = np.tril_indices(NUM_NODES)
    ew = jnp.zeros((NUM_NODES, NUM_NODES), dtype=x.dtype).at[xs, ys].set(edge_weight_tril)
    ew = ew + ew.T - jnp.diag(jnp.diagonal(ew))
    ew_flat = jnp.tile(ew.reshape(-1), BATCH)
    adj = gcn_norm(edge_index, x.shape[0], ew_flat)
    key = jax.random.key(42)
    emb = ALPHA * x
    kld = 0.0
    # ---- layer 0 ----
    z0 = sample_mask(a_uc0, b_uc0, NBLOCK * NUM_EDGES, jax.random.fold_in(key, 0))
    mask0 = jnp.tile(z0[:NUM_EDGES], BATCH)
    x1 = graph_conv(x, edge_index, mask0 * adj)
    emb = emb + (1.0 - ALPHA) * x1 / NLAY
    kld = kld + get_reg(a_uc0, b_uc0)
    # ---- layer 1 (last layer, i == nlay-1) ----
    z1 = sample_mask(a_uc1, b_uc1, NBLOCK * NUM_EDGES, jax.random.fold_in(key, 1))
    x2 = graph_conv(x1, edge_index, adj)
    emb = emb + (1.0 - ALPHA) * x2 / NLAY
    out = jax.nn.relu(emb @ lin_W + lin_b)  # computed then overwritten, as in torch
    # block j = 0
    m = jnp.tile(z1[:NUM_EDGES], BATCH)
    out = graph_conv(x2, edge_index, m * adj)
    out = jax.nn.relu(out @ lin_W + lin_b)
    # block j = 1
    m = jnp.tile(z1[NUM_EDGES:2 * NUM_EDGES], BATCH)
    out2 = graph_conv(x2, edge_index, m * adj) @ lin_W + lin_b
    out = jax.nn.relu(out + out2)
    kld = kld + get_reg(a_uc1, b_uc1)
    # ---- global_add_pool + dropout + fc ----
    pooled = jax.ops.segment_sum(out, batch_ids, num_segments=BATCH)
    keep = jax.random.bernoulli(jax.random.fold_in(key, 99), 1.0 - DROPOUT, pooled.shape)
    pooled = jnp.where(keep, pooled / (1.0 - DROPOUT), 0.0)
    output = pooled @ fc_W + fc_b
    return output, kld


def setup_inputs(seed: int = 0):
    key = jax.random.key(seed)
    ks = jax.random.split(key, 8)
    N = BATCH * NUM_NODES
    x = jax.random.normal(ks[0], (N, NFEAT), dtype=jnp.float32)
    base_row = jnp.repeat(jnp.arange(NUM_NODES, dtype=jnp.int32), NUM_NODES)
    base_col = jnp.tile(jnp.arange(NUM_NODES, dtype=jnp.int32), NUM_NODES)
    off = (jnp.arange(BATCH, dtype=jnp.int32) * NUM_NODES)[:, None]
    row = (base_row[None, :] + off).reshape(-1)
    col = (base_col[None, :] + off).reshape(-1)
    edge_index = jnp.stack([row, col])
    batch_ids = jnp.repeat(jnp.arange(BATCH, dtype=jnp.int32), NUM_NODES)
    n_tril = NUM_NODES * (NUM_NODES + 1) // 2
    edge_weight_tril = jax.random.normal(ks[1], (n_tril,), dtype=jnp.float32) * 0.1
    a_uc0 = jax.random.uniform(ks[2], (1,), minval=1.0, maxval=1.5, dtype=jnp.float32)
    b_uc0 = jax.random.uniform(ks[3], (1,), minval=0.49, maxval=0.51, dtype=jnp.float32)
    a_uc1 = jax.random.uniform(ks[4], (1,), minval=1.0, maxval=1.5, dtype=jnp.float32)
    b_uc1 = jax.random.uniform(ks[5], (1,), minval=0.49, maxval=0.51, dtype=jnp.float32)
    lin_W = jax.random.normal(ks[6], (NFEAT, 128), dtype=jnp.float32) * (1.0 / np.sqrt(NFEAT))
    lin_b = jnp.zeros((128,), dtype=jnp.float32)
    fc_W = jax.random.normal(ks[7], (128, 3), dtype=jnp.float32) * (1.0 / np.sqrt(128.0))
    fc_b = jnp.zeros((3,), dtype=jnp.float32)
    return {"x": x, "edge_index": edge_index, "batch_ids": batch_ids,
            "edge_weight_tril": edge_weight_tril,
            "a_uc0": a_uc0, "b_uc0": b_uc0, "a_uc1": a_uc1, "b_uc1": b_uc1,
            "lin_W": lin_W, "lin_b": lin_b, "fc_W": fc_W, "fc_b": fc_b}


def reference(x, edge_index, batch_ids, edge_weight_tril, a_uc0, b_uc0, a_uc1, b_uc1,
              lin_W, lin_b, fc_W, fc_b):
    return _forward(x, edge_index, batch_ids, edge_weight_tril,
                    a_uc0, b_uc0, a_uc1, b_uc1, lin_W, lin_b, fc_W, fc_b)

if __name__ == "__main__":
    import jax
    _d = setup_inputs()
    print(jax.jit(kernel)(*tuple(_d.values())))

</pallas_src>

<mosaic_0001>
#map = affine_map<(d0, d1) -> (0)>
module attributes {stable_mosaic.version = 14 : i64} {
  func.func @sc_gather(%arg0: i32, %arg1: i32, %arg2: memref<20104xf32, #tpu.memory_space<hbm>>, %arg3: memref<40448xi32, #tpu.memory_space<hbm>>, %arg4: memref<40448xf32, #tpu.memory_space<hbm>>, %arg5: memref<20104xf32, #tpu.memory_space<vmem>>, %arg6: memref<1264xi32, #tpu.memory_space<vmem>>, %arg7: memref<1264xf32, #tpu.memory_space<vmem>>, %arg8: memref<20104xf32, #tpu.memory_space<vmem_shared>>) attributes {dimension_semantics = [#tpu.dimension_semantics<core_parallel>, #tpu.dimension_semantics<subcore_parallel>], iteration_bounds = array<i64: 2, 16>, scalar_prefetch = 0 : i64, scratch_operands = 4 : i64, tpu.core_type = #tpu.core_type<sc_vector_subcore>, window_params = [{transform_indices = #map}, {transform_indices = #map}, {transform_indices = #map}]} {
    %mul3A = arith.constant 2 : i32
    %mul3A_0 = arith.muli %arg1, %mul3A : i32
    %add3A = arith.addi %mul3A_0, %arg0 : i32
    %mul3A_1 = arith.constant 1264 : i32
    %mul3A_2 = arith.muli %add3A, %mul3A_1 : i32
    %eq3A = arith.constant 0 : i32
    %eq3A_3 = arith.cmpi eq, %arg1, %eq3A : i32
    %convert_element_type3A = arith.extui %eq3A_3 : i1 to i32
    %cond3A = arith.constant 0 : i32
    %cond3A_4 = arith.cmpi ne, %convert_element_type3A, %cond3A : i32
    scf.if %cond3A_4 {
      "tpu.region"() ({
        %run_scoped3A = tpu.sem_alloc : memref<!tpu.dma_semaphore, #tpu.memory_space<semaphore_mem>>
        tpu.enqueue_dma source(%arg2 : memref<20104xf32, #tpu.memory_space<hbm>>) target(%arg8 : memref<20104xf32, #tpu.memory_space<vmem_shared>>) target_semaphore(%run_scoped3A : memref<!tpu.dma_semaphore, #tpu.memory_space<semaphore_mem>>)
        tpu.wait_dma2 semaphore(%run_scoped3A : memref<!tpu.dma_semaphore, #tpu.memory_space<semaphore_mem>>) src(%arg2 : memref<20104xf32, #tpu.memory_space<hbm>>) dst(%arg8 : memref<20104xf32, #tpu.memory_space<vmem_shared>>)
        tpu.yield
      }) : () -> ()
    } else {
    }
    %barrier3A = arith.constant 0 : index
    tpu.barrier barrier_id(%barrier3A)
    "tpu.region"() ({
      %run_scoped3A = tpu.sem_alloc : memref<!tpu.dma_semaphore, #tpu.memory_space<semaphore_mem>>
      tpu.enqueue_dma source(%arg8 : memref<20104xf32, #tpu.memory_space<vmem_shared>>) target(%arg5 : memref<20104xf32, #tpu.memory_space<vmem>>) target_semaphore(%run_scoped3A : memref<!tpu.dma_semaphore, #tpu.memory_space<semaphore_mem>>)
      tpu.wait_dma2 semaphore(%run_scoped3A : memref<!tpu.dma_semaphore, #tpu.memory_space<semaphore_mem>>) src(%arg8 : memref<20104xf32, #tpu.memory_space<vmem_shared>>) dst(%arg5 : memref<20104xf32, #tpu.memory_space<vmem>>)
      tpu.yield
    }) : () -> ()
    "tpu.region"() ({
      %run_scoped3A = tpu.sem_alloc : memref<!tpu.dma_semaphore, #tpu.memory_space<semaphore_mem>>
      %dma_start3A = tpu.memref_slice %arg3[%mul3A_2] : memref<40448xi32, #tpu.memory_space<hbm>> -> memref<1264xi32, #tpu.memory_space<hbm>>
      %dma_start3A_397 = tpu.memref_slice %arg3[%mul3A_2] : memref<40448xi32, #tpu.memory_space<hbm>> -> memref<1264xi32, #tpu.memory_space<hbm>>
      tpu.enqueue_dma source(%dma_start3A_397 : memref<1264xi32, #tpu.memory_space<hbm>>) target(%arg6 : memref<1264xi32, #tpu.memory_space<vmem>>) target_semaphore(%run_scoped3A : memref<!tpu.dma_semaphore, #tpu.memory_space<semaphore_mem>>)
      %dma_wait3A = tpu.memref_slice %arg3[%mul3A_2] : memref<40448xi32, #tpu.memory_space<hbm>> -> memref<1264xi32, #tpu.memory_space<hbm>>
      %dma_wait3A_398 = tpu.memref_slice %arg3[%mul3A_2] : memref<40448xi32, #tpu.memory_space<hbm>> -> memref<1264xi32, #tpu.memory_space<hbm>>
      tpu.wait_dma2 semaphore(%run_scoped3A : memref<!tpu.dma_semaphore, #tpu.memory_space<semaphore_mem>>) src(%dma_wait3A_398 : memref<1264xi32, #tpu.memory_space<hbm>>) dst(%arg6 : memref<1264xi32, #tpu.memory_space<vmem>>)
      tpu.yield
    }) : () -> ()
    %get3A = arith.constant 0 : index
    %get3A_5 = tpu.vector_load %arg6[%get3A] {strides = array<i32>} : memref<1264xi32, #tpu.memory_space<vmem>>, vector<16xi32>,
    %gather3A = tpu.vector_load_idx %arg5[%get3A_5] : memref<20104xf32, #tpu.memory_space<vmem>>[vector<16xi32>], vector<16xf32>,
    %swap3A = arith.constant 0 : index
    %swap3A_6 = tpu.vector_load %arg7[%swap3A] {strides = array<i32>} : memref<1264xf32, #tpu.memory_space<vmem>>, vector<16xf32>,
    tpu.vector_store %arg7[%swap3A], %gather3A {strides = array<i32>} : memref<1264xf32, #tpu.memory_space<vmem>>, vector<16xf32>,
    %get3A_7 = arith.constant 16 : index
    %get3A_8 = tpu.vector_load %arg6[%get3A_7] {strides = array<i32>} : memref<1264xi32, #tpu.memory_space<vmem>>, vector<16xi32>,
    %gather3A_9 = tpu.vector_load_idx %arg5[%get3A_8] : memref<20104xf32, #tpu.memory_space<vmem>>[vector<16xi32>], vector<16xf32>,
    %swap3A_10 = arith.constant 16 : index
    %swap3A_11 = tpu.vector_load %arg7[%swap3A_10] {strides = array<i32>} : memref<1264xf32, #tpu.memory_space<vmem>>, vector<16xf32>,
    tpu.vector_store %arg7[%swap3A_10], %gather3A_9 {strides = array<i32>} : memref<1264xf32, #tpu.memory_space<vmem>>, vector<16xf32>,
    %get3A_12 = arith.constant 32 : index
    %get3A_13 = tpu.vector_load %arg6[%get3A_12] {strides = array<i32>} : memref<1264xi32, #tpu.memory_space<vmem>>, vector<16xi32>,
    %gather3A_14 = tpu.vector_load_idx %arg5[%get3A_13] : memref<20104xf32, #tpu.memory_space<vmem>>[vector<16xi32>], vector<16xf32>,
    %swap3A_15 = arith.constant 32 : index
    %swap3A_16 = tpu.vector_load %arg7[%swap3A_15] {strides = array<i32>} : memref<1264xf32, #tpu.memory_space<vmem>>, vector<16xf32>,
    tpu.vector_store %arg7[%swap3A_15], %gather3A_14 {strides = array<i32>} : memref<1264xf32, #tpu.memory_space<vmem>>, vector<16xf32>,
    %get3A_17 = arith.constant 48 : index
    %get3A_18 = tpu.vector_load %arg6[%get3A_17] {strides = array<i32>} : memref<1264xi32, #tpu.memory_space<vmem>>, vector<16xi32>,
    %gather3A_19 = tpu.vector_load_idx %arg5[%get3A_18] : memref<20104xf32, #tpu.memory_space<vmem>>[vector<16xi32>], vector<16xf32>,
    %swap3A_20 = arith.constant 48 : index
    %swap3A_21 = tpu.vector_load %arg7[%swap3A_20] {strides = array<i32>} : memref<1264xf32, #tpu.memory_space<vmem>>, vector<16xf32>,
    tpu.vector_store %arg7[%swap3A_20], %gather3A_19 {strides = array<i32>} : memref<1264xf32, #tpu.memory_space<vmem>>, vector<16xf32>,
    %get3A_22 = arith.constant 64 : index
    %get3A_23 = tpu.vector_load %arg6[%get3A_22] {strides = array<i32>} : memref<1264xi32, #tpu.memory_space<vmem>>, vector<16xi32>,
    %gather3A_24 = tpu.vector_load_idx %arg5[%get3A_23] : memref<20104xf32, #tpu.memory_space<vmem>>[vector<16xi32>], vector<16xf32>,
    %swap3A_25 = arith.constant 64 : index
    %swap3A_26 = tpu.vector_load %arg7[%swap3A_25] {strides = array<i32>} : memref<1264xf32, #tpu.memory_space<vmem>>, vector<16xf32>,
    tpu.vector_store %arg7[%swap3A_25], %gather3A_24 {strides = array<i32>} : memref<1264xf32, #tpu.memory_space<vmem>>, vector<16xf32>,
    %get3A_27 = arith.constant 80 : index
    %get3A_28 = tpu.vector_load %arg6[%get3A_27] {strides = array<i32>} : memref<1264xi32, #tpu.memory_space<vmem>>, vector<16xi32>,
    %gather3A_29 = tpu.vector_load_idx %arg5[%get3A_28] : memref<20104xf32, #tpu.memory_space<vmem>>[vector<16xi32>], vector<16xf32>,
    %swap3A_30 = arith.constant 80 : index
    %swap3A_31 = tpu.vector_load %arg7[%swap3A_30] {strides = array<i32>} : memref<1264xf32, #tpu.memory_space<vmem>>, vector<16xf32>,
    tpu.vector_store %arg7[%swap3A_30], %gather3A_29 {strides = array<i32>} : memref<1264xf32, #tpu.memory_space<vmem>>, vector<16xf32>,
    %get3A_32 = arith.constant 96 : index
    %get3A_33 = tpu.vector_load %arg6[%get3A_32] {strides = array<i32>} : memref<1264xi32, #tpu.memory_space<vmem>>, vector<16xi32>,
    %gather3A_34 = tpu.vector_load_idx %arg5[%get3A_33] : memref<20104xf32, #tpu.memory_space<vmem>>[vector<16xi32>], vector<16xf32>,
    %swap3A_35 = arith.constant 96 : index
    %swap3A_36 = tpu.vector_load %arg7[%swap3A_35] {strides = array<i32>} : memref<1264xf32, #tpu.memory_space<vmem>>, vector<16xf32>,
    tpu.vector_store %arg7[%swap3A_35], %gather3A_34 {strides = array<i32>} : memref<1264xf32, #tpu.memory_space<vmem>>, vector<16xf32>,
    %get3A_37 = arith.constant 112 : index
    %get3A_38 = tpu.vector_load %arg6[%get3A_37] {strides = array<i32>} : memref<1264xi32, #tpu.memory_space<vmem>>, vector<16xi32>,
    %gather3A_39 = tpu.vector_load_idx %arg5[%get3A_38] : memref<20104xf32, #tpu.memory_space<vmem>>[vector<16xi32>], vector<16xf32>,
    %swap3A_40 = arith.constant 112 : index
    %swap3A_41 = tpu.vector_load %arg7[%swap3A_40] {strides = array<i32>} : memref<1264xf32, #tpu.memory_space<vmem>>, vector<16xf32>,
    tpu.vector_store %arg7[%swap3A_40], %gather3A_39 {strides = array<i32>} : memref<1264xf32, #tpu.memory_space<vmem>>, vector<16xf32>,
    %get3A_42 = arith.constant 128 : index
    %get3A_43 = tpu.vector_load %arg6[%get3A_42] {strides = array<i32>} : memref<1264xi32, #tpu.memory_space<vmem>>, vector<16xi32>,
    %gather3A_44 = tpu.vector_load_idx %arg5[%get3A_43] : memref<20104xf32, #tpu.memory_space<vmem>>[vector<16xi32>], vector<16xf32>,
    %swap3A_45 = arith.constant 128 : index
    %swap3A_46 = tpu.vector_load %arg7[%swap3A_45] {strides = array<i32>} : memref<1264xf32, #tpu.memory_space<vmem>>, vector<16xf32>,
    tpu.vector_store %arg7[%swap3A_45], %gather3A_44 {strides = array<i32>} : memref<1264xf32, #tpu.memory_space<vmem>>, vector<16xf32>,
    %get3A_47 = arith.constant 144 : index
    %get3A_48 = tpu.vector_load %arg6[%get3A_47] {strides = array<i32>} : memref<1264xi32, #tpu.memory_space<vmem>>, vector<16xi32>,
    %gather3A_49 = tpu.vector_load_idx %arg5[%get3A_48] : memref<20104xf32, #tpu.memory_space<vmem>>[vector<16xi32>], vector<16xf32>,
    %swap3A_50 = arith.constant 144 : index
    %swap3A_51 = tpu.vector_load %arg7[%swap3A_50] {strides = array<i32>} : memref<1264xf32, #tpu.memory_space<vmem>>, vector<16xf32>,
    tpu.vector_store %arg7[%swap3A_50], %gather3A_49 {strides = array<i32>} : memref<1264xf32, #tpu.memory_space<vmem>>, vector<16xf32>,
    %get3A_52 = arith.constant 160 : index
    %get3A_53 = tpu.vector_load %arg6[%get3A_52] {strides = array<i32>} : memref<1264xi32, #tpu.memory_space<vmem>>, vector<16xi32>,
    %gather3A_54 = tpu.vector_load_idx %arg5[%get3A_53] : memref<20104xf32, #tpu.memory_space<vmem>>[vector<16xi32>], vector<16xf32>,
    %swap3A_55 = arith.constant 160 : index
    %swap3A_56 = tpu.vector_load %arg7[%swap3A_55] {strides = array<i32>} : memref<1264xf32, #tpu.memory_space<vmem>>, vector<16xf32>,
    tpu.vector_store %arg7[%swap3A_55], %gather3A_54 {strides = array<i32>} : memref<1264xf32, #tpu.memory_space<vmem>>, vector<16xf32>,
    %get3A_57 = arith.constant 176 : index
    %get3A_58 = tpu.vector_load %arg6[%get3A_57] {strides = array<i32>} : memref<1264xi32, #tpu.memory_space<vmem>>, vector<16xi32>,
    %gather3A_59 = tpu.vector_load_idx %arg5[%get3A_58] : memref<20104xf32, #tpu.memory_space<vmem>>[vector<16xi32>], vector<16xf32>,
    %swap3A_60 = arith.constant 176 : index
    %swap3A_61 = tpu.vector_load %arg7[%swap3A_60] {strides = array<i32>} : memref<1264xf32, #tpu.memory_space<vmem>>, vector<16xf32>,
    tpu.vector_store %arg7[%swap3A_60], %gather3A_59 {strides = array<i32>} : memref<1264xf32, #tpu.memory_space<vmem>>, vector<16xf32>,
    %get3A_62 = arith.constant 192 : index
    %get3A_63 = tpu.vector_load %arg6[%get3A_62] {strides = array<i32>} : memref<1264xi32, #tpu.memory_space<vmem>>, vector<16xi32>,
    %gather3A_64 = tpu.vector_load_idx %arg5[%get3A_63] : memref<20104xf32, #tpu.memory_space<vmem>>[vector<16xi32>], vector<16xf32>,
    %swap3A_65 = arith.constant 192 : index
    %swap3A_66 = tpu.vector_load %arg7[%swap3A_65] {strides = array<i32>} : memref<1264xf32, #tpu.memory_space<vmem>>, vector<16xf32>,
    tpu.vector_store %arg7[%swap3A_65], %gather3A_64 {strides = array<i32>} : memref<1264xf32, #tpu.memory_space<vmem>>, vector<16xf32>,
    %get3A_67 = arith.constant 208 : index
    %get3A_68 = tpu.vector_load %arg6[%get3A_67] {strides = array<i32>} : memref<1264xi32, #tpu.memory_space<vmem>>, vector<16xi32>,
    %gather3A_69 = tpu.vector_load_idx %arg5[%get3A_68] : memref<20104xf32, #tpu.memory_space<vmem>>[vector<16xi32>], vector<16xf32>,
    %swap3A_70 = arith.constant 208 : index
    %swap3A_71 = tpu.vector_load %arg7[%swap3A_70] {strides = array<i32>} : memref<1264xf32, #tpu.memory_space<vmem>>, vector<16xf32>,
    tpu.vector_store %arg7[%swap3A_70], %gather3A_69 {strides = array<i32>} : memref<1264xf32, #tpu.memory_space<vmem>>, vector<16xf32>,
    %get3A_72 = arith.constant 224 : index
    %get3A_73 = tpu.vector_load %arg6[%get3A_72] {strides = array<i32>} : memref<1264xi32, #tpu.memory_space<vmem>>, vector<16xi32>,
    %gather3A_74 = tpu.vector_load_idx %arg5[%get3A_73] : memref<20104xf32, #tpu.memory_space<vmem>>[vector<16xi32>], vector<16xf32>,
    %swap3A_75 = arith.constant 224 : index
    %swap3A_76 = tpu.vector_load %arg7[%swap3A_75] {strides = array<i32>} : memref<1264xf32, #tpu.memory_space<vmem>>, vector<16xf32>,
    tpu.vector_store %arg7[%swap3A_75], %gather3A_74 {strides = array<i32>} : memref<1264xf32, #tpu.memory_space<vmem>>, vector<16xf32>,
    %get3A_77 = arith.constant 240 : index
    %get3A_78 = tpu.vector_load %arg6[%get3A_77] {strides = array<i32>} : memref<1264xi32, #tpu.memory_space<vmem>>, vector<16xi32>,
    %gather3A_79 = tpu.vector_load_idx %arg5[%get3A_78] : memref<20104xf32, #tpu.memory_space<vmem>>[vector<16xi32>], vector<16xf32>,
    %swap3A_80 = arith.constant 240 : index
    %swap3A_81 = tpu.vector_load %arg7[%swap3A_80] {strides = array<i32>} : memref<1264xf32, #tpu.memory_space<vmem>>, vector<16xf32>,
    tpu.vector_store %arg7[%swap3A_80], %gather3A_79 {strides = array<i32>} : memref<1264xf32, #tpu.memory_space<vmem>>, vector<16xf32>,
    %get3A_82 = arith.constant 256 : index
    %get3A_83 = tpu.vector_load %arg6[%get3A_82] {strides = array<i32>} : memref<1264xi32, #tpu.memory_space<vmem>>, vector<16xi32>,
    %gather3A_84 = tpu.vector_load_idx %arg5[%get3A_83] : memref<20104xf32, #tpu.memory_space<vmem>>[vector<16xi32>], vector<16xf32>,
    %swap3A_85 = arith.constant 256 : index
    %swap3A_86 = tpu.vector_load %arg7[%swap3A_85] {strides = array<i32>} : memref<1264xf32, #tpu.memory_space<vmem>>, vector<16xf32>,
    tpu.vector_store %arg7[%swap3A_85], %gather3A_84 {strides = array<i32>} : memref<1264xf32, #tpu.memory_space<vmem>>, vector<16xf32>,
    %get3A_87 = arith.constant 272 : index
    %get3A_88 = tpu.vector_load %arg6[%get3A_87] {strides = array<i32>} : memref<1264xi32, #tpu.memory_space<vmem>>, vector<16xi32>,
    %gather3A_89 = tpu.vector_load_idx %arg5[%get3A_88] : memref<20104xf32, #tpu.memory_space<vmem>>[vector<16xi32>], vector<16xf32>,
    %swap3A_90 = arith.constant 272 : index
    %swap3A_91 = tpu.vector_load %arg7[%swap3A_90] {strides = array<i32>} : memref<1264xf32, #tpu.memory_space<vmem>>, vector<16xf32>,
    tpu.vector_store %arg7[%swap3A_90], %gather3A_89 {strides = array<i32>} : memref<1264xf32, #tpu.memory_space<vmem>>, vector<16xf32>,
    %get3A_92 = arith.constant 288 : index
    %get3A_93 = tpu.vector_load %arg6[%get3A_92] {strides = array<i32>} : memref<1264xi32, #tpu.memory_space<vmem>>, vector<16xi32>,
    %gather3A_94 = tpu.vector_load_idx %arg5[%get3A_93] : memref<20104xf32, #tpu.memory_space<vmem>>[vector<16xi32>], vector<16xf32>,
    %swap3A_95 = arith.constant 288 : index
    %swap3A_96 = tpu.vector_load %arg7[%swap3A_95] {strides = array<i32>} : memref<1264xf32, #tpu.memory_space<vmem>>, vector<16xf32>,
    tpu.vector_store %arg7[%swap3A_95], %gather3A_94 {strides = array<i32>} : memref<1264xf32, #tpu.memory_space<vmem>>, vector<16xf32>,
    %get3A_97 = arith.constant 304 : index
    %get3A_98 = tpu.vector_load %arg6[%get3A_97] {strides = array<i32>} : memref<1264xi32, #tpu.memory_space<vmem>>, vector<16xi32>,
    %gather3A_99 = tpu.vector_load_idx %arg5[%get3A_98] : memref<20104xf32, #tpu.memory_space<vmem>>[vector<16xi32>], vector<16xf32>,
    %swap3A_100 = arith.constant 304 : index
    %swap3A_101 = tpu.vector_load %arg7[%swap3A_100] {strides = array<i32>} : memref<1264xf32, #tpu.memory_space<vmem>>, vector<16xf32>,
    tpu.vector_store %arg7[%swap3A_100], %gather3A_99 {strides = array<i32>} : memref<1264xf32, #tpu.memory_space<vmem>>, vector<16xf32>,
    %get3A_102 = arith.constant 320 : index
    %get3A_103 = tpu.vector_load %arg6[%get3A_102] {strides = array<i32>} : memref<1264xi32, #tpu.memory_space<vmem>>, vector<16xi32>,
    %gather3A_104 = tpu.vector_load_idx %arg5[%get3A_103] : memref<20104xf32, #tpu.memory_space<vmem>>[vector<16xi32>], vector<16xf32>,
    %swap3A_105 = arith.constant 320 : index
    %swap3A_106 = tpu.vector_load %arg7[%swap3A_105] {strides = array<i32>} : memref<1264xf32, #tpu.memory_space<vmem>>, vector<16xf32>,
    tpu.vector_store %arg7[%swap3A_105], %gather3A_104 {strides = array<i32>} : memref<1264xf32, #tpu.memory_space<vmem>>, vector<16xf32>,
    %get3A_107 = arith.constant 336 : index
    %get3A_108 = tpu.vector_load %arg6[%get3A_107] {strides = array<i32>} : memref<1264xi32, #tpu.memory_space<vmem>>, vector<16xi32>,
    %gather3A_109 = tpu.vector_load_idx %arg5[%get3A_108] : memref<20104xf32, #tpu.memory_space<vmem>>[vector<16xi32>], vector<16xf32>,
    %swap3A_110 = arith.constant 336 : index
    %swap3A_111 = tpu.vector_load %arg7[%swap3A_110] {strides = array<i32>} : memref<1264xf32, #tpu.memory_space<vmem>>, vector<16xf32>,
    tpu.vector_store %arg7[%swap3A_110], %gather3A_109 {strides = array<i32>} : memref<1264xf32, #tpu.memory_space<vmem>>, vector<16xf32>,
    %get3A_112 = arith.constant 352 : index
    %get3A_113 = tpu.vector_load %arg6[%get3A_112] {strides = array<i32>} : memref<1264xi32, #tpu.memory_space<vmem>>, vector<16xi32>,
    %gather3A_114 = tpu.vector_load_idx %arg5[%get3A_113] : memref<20104xf32, #tpu.memory_space<vmem>>[vector<16xi32>], vector<16xf32>,
    %swap3A_115 = arith.constant 352 : index
    %swap3A_116 = tpu.vector_load %arg7[%swap3A_115] {strides = array<i32>} : memref<1264xf32, #tpu.memory_space<vmem>>, vector<16xf32>,
    tpu.vector_store %arg7[%swap3A_115], %gather3A_114 {strides = array<i32>} : memref<1264xf32, #tpu.memory_space<vmem>>, vector<16xf32>,
    %get3A_117 = arith.constant 368 : index
    %get3A_118 = tpu.vector_load %arg6[%get3A_117] {strides = array<i32>} : memref<1264xi32, #tpu.memory_space<vmem>>, vector<16xi32>,
    %gather3A_119 = tpu.vector_load_idx %arg5[%get3A_118] : memref<20104xf32, #tpu.memory_space<vmem>>[vector<16xi32>], vector<16xf32>,
    %swap3A_120 = arith.constant 368 : index
    %swap3A_121 = tpu.vector_load %arg7[%swap3A_120] {strides = array<i32>} : memref<1264xf32, #tpu.memory_space<vmem>>, vector<16xf32>,
    tpu.vector_store %arg7[%swap3A_120], %gather3A_119 {strides = array<i32>} : memref<1264xf32, #tpu.memory_space<vmem>>, vector<16xf32>,
    %get3A_122 = arith.constant 384 : index
    %get3A_123 = tpu.vector_load %arg6[%get3A_122] {strides = array<i32>} : memref<1264xi32, #tpu.memory_space<vmem>>, vector<16xi32>,
    %gather3A_124 = tpu.vector_load_idx %arg5[%get3A_123] : memref<20104xf32, #tpu.memory_space<vmem>>[vector<16xi32>], vector<16xf32>,
    %swap3A_125 = arith.constant 384 : index
    %swap3A_126 = tpu.vector_load %arg7[%swap3A_125] {strides = array<i32>} : memref<1264xf32, #tpu.memory_space<vmem>>, vector<16xf32>,
    tpu.vector_store %arg7[%swap3A_125], %gather3A_124 {strides = array<i32>} : memref<1264xf32, #tpu.memory_space<vmem>>, vector<16xf32>,
    %get3A_127 = arith.constant 400 : index
    %get3A_128 = tpu.vector_load %arg6[%get3A_127] {strides = array<i32>} : memref<1264xi32, #tpu.memory_space<vmem>>, vector<16xi32>,
    %gather3A_129 = tpu.vector_load_idx %arg5[%get3A_128] : memref<20104xf32, #tpu.memory_space<vmem>>[vector<16xi32>], vector<16xf32>,
    %swap3A_130 = arith.constant 400 : index
    %swap3A_131 = tpu.vector_load %arg7[%swap3A_130] {strides = array<i32>} : memref<1264xf32, #tpu.memory_space<vmem>>, vector<16xf32>,
    tpu.vector_store %arg7[%swap3A_130], %gather3A_129 {strides = array<i32>} : memref<1264xf32, #tpu.memory_space<vmem>>, vector<16xf32>,
    %get3A_132 = arith.constant 416 : index
    %get3A_133 = tpu.vector_load %arg6[%get3A_132] {strides = array<i32>} : memref<1264xi32, #tpu.memory_space<vmem>>, vector<16xi32>,
    %gather3A_134 = tpu.vector_load_idx %arg5[%get3A_133] : memref<20104xf32, #tpu.memory_space<vmem>>[vector<16xi32>], vector<16xf32>,
    %swap3A_135 = arith.constant 416 : index
    %swap3A_136 = tpu.vector_load %arg7[%swap3A_135] {strides = array<i32>} : memref<1264xf32, #tpu.memory_space<vmem>>, vector<16xf32>,
    tpu.vector_store %arg7[%swap3A_135], %gather3A_134 {strides = array<i32>} : memref<1264xf32, #tpu.memory_space<vmem>>, vector<16xf32>,
    %get3A_137 = arith.constant 432 : index
    %get3A_138 = tpu.vector_load %arg6[%get3A_137] {strides = array<i32>} : memref<1264xi32, #tpu.memory_space<vmem>>, vector<16xi32>,
    %gather3A_139 = tpu.vector_load_idx %arg5[%get3A_138] : memref<20104xf32, #tpu.memory_space<vmem>>[vector<16xi32>], vector<16xf32>,
    %swap3A_140 = arith.constant 432 : index
    %swap3A_141 = tpu.vector_load %arg7[%swap3A_140] {strides = array<i32>} : memref<1264xf32, #tpu.memory_space<vmem>>, vector<16xf32>,
    tpu.vector_store %arg7[%swap3A_140], %gather3A_139 {strides = array<i32>} : memref<1264xf32, #tpu.memory_space<vmem>>, vector<16xf32>,
    %get3A_142 = arith.constant 448 : index
    %get3A_143 = tpu.vector_load %arg6[%get3A_142] {strides = array<i32>} : memref<1264xi32, #tpu.memory_space<vmem>>, vector<16xi32>,
    %gather3A_144 = tpu.vector_load_idx %arg5[%get3A_143] : memref<20104xf32, #tpu.memory_space<vmem>>[vector<16xi32>], vector<16xf32>,
    %swap3A_145 = arith.constant 448 : index
    %swap3A_146 = tpu.vector_load %arg7[%swap3A_145] {strides = array<i32>} : memref<1264xf32, #tpu.memory_space<vmem>>, vector<16xf32>,
    tpu.vector_store %arg7[%swap3A_145], %gather3A_144 {strides = array<i32>} : memref<1264xf32, #tpu.memory_space<vmem>>, vector<16xf32>,
    %get3A_147 = arith.constant 464 : index
    %get3A_148 = tpu.vector_load %arg6[%get3A_147] {strides = array<i32>} : memref<1264xi32, #tpu.memory_space<vmem>>, vector<16xi32>,
    %gather3A_149 = tpu.vector_load_idx %arg5[%get3A_148] : memref<20104xf32, #tpu.memory_space<vmem>>[vector<16xi32>], vector<16xf32>,
    %swap3A_150 = arith.constant 464 : index
    %swap3A_151 = tpu.vector_load %arg7[%swap3A_150] {strides = array<i32>} : memref<1264xf32, #tpu.memory_space<vmem>>, vector<16xf32>,
    tpu.vector_store %arg7[%swap3A_150], %gather3A_149 {strides = array<i32>} : memref<1264xf32, #tpu.memory_space<vmem>>, vector<16xf32>,
    %get3A_152 = arith.constant 480 : index
    %get3A_153 = tpu.vector_load %arg6[%get3A_152] {strides = array<i32>} : memref<1264xi32, #tpu.memory_space<vmem>>, vector<16xi32>,
    %gather3A_154 = tpu.vector_load_idx %arg5[%get3A_153] : memref<20104xf32, #tpu.memory_space<vmem>>[vector<16xi32>], vector<16xf32>,
    %swap3A_155 = arith.constant 480 : index
    %swap3A_156 = tpu.vector_load %arg7[%swap3A_155] {strides = array<i32>} : memref<1264xf32, #tpu.memory_space<vmem>>, vector<16xf32>,
    tpu.vector_store %arg7[%swap3A_155], %gather3A_154 {strides = array<i32>} : memref<1264xf32, #tpu.memory_space<vmem>>, vector<16xf32>,
    %get3A_157 = arith.constant 496 : index
    %get3A_158 = tpu.vector_load %arg6[%get3A_157] {strides = array<i32>} : memref<1264xi32, #tpu.memory_space<vmem>>, vector<16xi32>,
    %gather3A_159 = tpu.vector_load_idx %arg5[%get3A_158] : memref<20104xf32, #tpu.memory_space<vmem>>[vector<16xi32>], vector<16xf32>,
    %swap3A_160 = arith.constant 496 : index
    %swap3A_161 = tpu.vector_load %arg7[%swap3A_160] {strides = array<i32>} : memref<1264xf32, #tpu.memory_space<vmem>>, vector<16xf32>,
    tpu.vector_store %arg7[%swap3A_160], %gather3A_159 {strides = array<i32>} : memref<1264xf32, #tpu.memory_space<vmem>>, vector<16xf32>,
    %get3A_162 = arith.constant 512 : index
    %get3A_163 = tpu.vector_load %arg6[%get3A_162] {strides = array<i32>} : memref<1264xi32, #tpu.memory_space<vmem>>, vector<16xi32>,
    %gather3A_164 = tpu.vector_load_idx %arg5[%get3A_163] : memref<20104xf32, #tpu.memory_space<vmem>>[vector<16xi32>], vector<16xf32>,
    %swap3A_165 = arith.constant 512 : index
    %swap3A_166 = tpu.vector_load %arg7[%swap3A_165] {strides = array<i32>} : memref<1264xf32, #tpu.memory_space<vmem>>, vector<16xf32>,
    tpu.vector_store %arg7[%swap3A_165], %gather3A_164 {strides = array<i32>} : memref<1264xf32, #tpu.memory_space<vmem>>, vector<16xf32>,
    %get3A_167 = arith.constant 528 : index
    %get3A_168 = tpu.vector_load %arg6[%get3A_167] {strides = array<i32>} : memref<1264xi32, #tpu.memory_space<vmem>>, vector<16xi32>,
    %gather3A_169 = tpu.vector_load_idx %arg5[%get3A_168] : memref<20104xf32, #tpu.memory_space<vmem>>[vector<16xi32>], vector<16xf32>,
    %swap3A_170 = arith.constant 528 : index
    %swap3A_171 = tpu.vector_load %arg7[%swap3A_170] {strides = array<i32>} : memref<1264xf32, #tpu.memory_space<vmem>>, vector<16xf32>,
    tpu.vector_store %arg7[%swap3A_170], %gather3A_169 {strides = array<i32>} : memref<1264xf32, #tpu.memory_space<vmem>>, vector<16xf32>,
    %get3A_172 = arith.constant 544 : index
    %get3A_173 = tpu.vector_load %arg6[%get3A_172] {strides = array<i32>} : memref<1264xi32, #tpu.memory_space<vmem>>, vector<16xi32>,
    %gather3A_174 = tpu.vector_load_idx %arg5[%get3A_173] : memref<20104xf32, #tpu.memory_space<vmem>>[vector<16xi32>], vector<16xf32>,
    %swap3A_175 = arith.constant 544 : index
    %swap3A_176 = tpu.vector_load %arg7[%swap3A_175] {strides = array<i32>} : memref<1264xf32, #tpu.memory_space<vmem>>, vector<16xf32>,
    tpu.vector_store %arg7[%swap3A_175], %gather3A_174 {strides = array<i32>} : memref<1264xf32, #tpu.memory_space<vmem>>, vector<16xf32>,
    %get3A_177 = arith.constant 560 : index
    %get3A_178 = tpu.vector_load %arg6[%get3A_177] {strides = array<i32>} : memref<1264xi32, #tpu.memory_space<vmem>>, vector<16xi32>,
    %gather3A_179 = tpu.vector_load_idx %arg5[%get3A_178] : memref<20104xf32, #tpu.memory_space<vmem>>[vector<16xi32>], vector<16xf32>,
    %swap3A_180 = arith.constant 560 : index
    %swap3A_181 = tpu.vector_load %arg7[%swap3A_180] {strides = array<i32>} : memref<1264xf32, #tpu.memory_space<vmem>>, vector<16xf32>,
    tpu.vector_store %arg7[%swap3A_180], %gather3A_179 {strides = array<i32>} : memref<1264xf32, #tpu.memory_space<vmem>>, vector<16xf32>,
    %get3A_182 = arith.constant 576 : index
    %get3A_183 = tpu.vector_load %arg6[%get3A_182] {strides = array<i32>} : memref<1264xi32, #tpu.memory_space<vmem>>, vector<16xi32>,
    %gather3A_184 = tpu.vector_load_idx %arg5[%get3A_183] : memref<20104xf32, #tpu.memory_space<vmem>>[vector<16xi32>], vector<16xf32>,
    %swap3A_185 = arith.constant 576 : index
    %swap3A_186 = tpu.vector_load %arg7[%swap3A_185] {strides = array<i32>} : memref<1264xf32, #tpu.memory_space<vmem>>, vector<16xf32>,
    tpu.vector_store %arg7[%swap3A_185], %gather3A_184 {strides = array<i32>} : memref<1264xf32, #tpu.memory_space<vmem>>, vector<16xf32>,
    %get3A_187 = arith.constant 592 : index
    %get3A_188 = tpu.vector_load %arg6[%get3A_187] {strides = array<i32>} : memref<1264xi32, #tpu.memory_space<vmem>>, vector<16xi32>,
    %gather3A_189 = tpu.vector_load_idx %arg5[%get3A_188] : memref<20104xf32, #tpu.memory_space<vmem>>[vector<16xi32>], vector<16xf32>,
    %swap3A_190 = arith.constant 592 : index
    %swap3A_191 = tpu.vector_load %arg7[%swap3A_190] {strides = array<i32>} : memref<1264xf32, #tpu.memory_space<vmem>>, vector<16xf32>,
    tpu.vector_store %arg7[%swap3A_190], %gather3A_189 {strides = array<i32>} : memref<1264xf32, #tpu.memory_space<vmem>>, vector<16xf32>,
    %get3A_192 = arith.constant 608 : index
    %get3A_193 = tpu.vector_load %arg6[%get3A_192] {strides = array<i32>} : memref<1264xi32, #tpu.memory_space<vmem>>, vector<16xi32>,
    %gather3A_194 = tpu.vector_load_idx %arg5[%get3A_193] : memref<20104xf32, #tpu.memory_space<vmem>>[vector<16xi32>], vector<16xf32>,
    %swap3A_195 = arith.constant 608 : index
    %swap3A_196 = tpu.vector_load %arg7[%swap3A_195] {strides = array<i32>} : memref<1264xf32, #tpu.memory_space<vmem>>, vector<16xf32>,
    tpu.vector_store %arg7[%swap3A_195], %gather3A_194 {strides = array<i32>} : memref<1264xf32, #tpu.memory_space<vmem>>, vector<16xf32>,
    %get3A_197 = arith.constant 624 : index
    %get3A_198 = tpu.vector_load %arg6[%get3A_197] {strides = array<i32>} : memref<1264xi32, #tpu.memory_space<vmem>>, vector<16xi32>,
    %gather3A_199 = tpu.vector_load_idx %arg5[%get3A_198] : memref<20104xf32, #tpu.memory_space<vmem>>[vector<16xi32>], vector<16xf32>,
    %swap3A_200 = arith.constant 624 : index
    %swap3A_201 = tpu.vector_load %arg7[%swap3A_200] {strides = array<i32>} : memref<1264xf32, #tpu.memory_space<vmem>>, vector<16xf32>,
    tpu.vector_store %arg7[%swap3A_200], %gather3A_199 {strides = array<i32>} : memref<1264xf32, #tpu.memory_space<vmem>>, vector<16xf32>,
    %get3A_202 = arith.constant 640 : index
    %get3A_203 = tpu.vector_load %arg6[%get3A_202] {strides = array<i32>} : memref<1264xi32, #tpu.memory_space<vmem>>, vector<16xi32>,
    %gather3A_204 = tpu.vector_load_idx %arg5[%get3A_203] : memref<20104xf32, #tpu.memory_space<vmem>>[vector<16xi32>], vector<16xf32>,
    %swap3A_205 = arith.constant 640 : index
    %swap3A_206 = tpu.vector_load %arg7[%swap3A_205] {strides = array<i32>} : memref<1264xf32, #tpu.memory_space<vmem>>, vector<16xf32>,
    tpu.vector_store %arg7[%swap3A_205], %gather3A_204 {strides = array<i32>} : memref<1264xf32, #tpu.memory_space<vmem>>, vector<16xf32>,
    %get3A_207 = arith.constant 656 : index
    %get3A_208 = tpu.vector_load %arg6[%get3A_207] {strides = array<i32>} : memref<1264xi32, #tpu.memory_space<vmem>>, vector<16xi32>,
    %gather3A_209 = tpu.vector_load_idx %arg5[%get3A_208] : memref<20104xf32, #tpu.memory_space<vmem>>[vector<16xi32>], vector<16xf32>,
    %swap3A_210 = arith.constant 656 : index
    %swap3A_211 = tpu.vector_load %arg7[%swap3A_210] {strides = array<i32>} : memref<1264xf32, #tpu.memory_space<vmem>>, vector<16xf32>,
    tpu.vector_store %arg7[%swap3A_210], %gather3A_209 {strides = array<i32>} : memref<1264xf32, #tpu.memory_space<vmem>>, vector<16xf32>,
    %get3A_212 = arith.constant 672 : index
    %get3A_213 = tpu.vector_load %arg6[%get3A_212] {strides = array<i32>} : memref<1264xi32, #tpu.memory_space<vmem>>, vector<16xi32>,
    %gather3A_214 = tpu.vector_load_idx %arg5[%get3A_213] : memref<20104xf32, #tpu.memory_space<vmem>>[vector<16xi32>], vector<16xf32>,
    %swap3A_215 = arith.constant 672 : index
    %swap3A_216 = tpu.vector_load %arg7[%swap3A_215] {strides = array<i32>} : memref<1264xf32, #tpu.memory_space<vmem>>, vector<16xf32>,
    tpu.vector_store %arg7[%swap3A_215], %gather3A_214 {strides = array<i32>} : memref<1264xf32, #tpu.memory_space<vmem>>, vector<16xf32>,
    %get3A_217 = arith.constant 688 : index
    %get3A_218 = tpu.vector_load %arg6[%get3A_217] {strides = array<i32>} : memref<1264xi32, #tpu.memory_space<vmem>>, vector<16xi32>,
    %gather3A_219 = tpu.vector_load_idx %arg5[%get3A_218] : memref<20104xf32, #tpu.memory_space<vmem>>[vector<16xi32>], vector<16xf32>,
    %swap3A_220 = arith.constant 688 : index
    %swap3A_221 = tpu.vector_load %arg7[%swap3A_220] {strides = array<i32>} : memref<1264xf32, #tpu.memory_space<vmem>>, vector<16xf32>,
    tpu.vector_store %arg7[%swap3A_220], %gather3A_219 {strides = array<i32>} : memref<1264xf32, #tpu.memory_space<vmem>>, vector<16xf32>,
    %get3A_222 = arith.constant 704 : index
    %get3A_223 = tpu.vector_load %arg6[%get3A_222] {strides = array<i32>} : memref<1264xi32, #tpu.memory_space<vmem>>, vector<16xi32>,
    %gather3A_224 = tpu.vector_load_idx %arg5[%get3A_223] : memref<20104xf32, #tpu.memory_space<vmem>>[vector<16xi32>], vector<16xf32>,
    %swap3A_225 = arith.constant 704 : index
    %swap3A_226 = tpu.vector_load %arg7[%swap3A_225] {strides = array<i32>} : memref<1264xf32, #tpu.memory_space<vmem>>, vector<16xf32>,
    tpu.vector_store %arg7[%swap3A_225], %gather3A_224 {strides = array<i32>} : memref<1264xf32, #tpu.memory_space<vmem>>, vector<16xf32>,
    %get3A_227 = arith.constant 720 : index
    %get3A_228 = tpu.vector_load %arg6[%get3A_227] {strides = array<i32>} : memref<1264xi32, #tpu.memory_space<vmem>>, vector<16xi32>,
    %gather3A_229 = tpu.vector_load_idx %arg5[%get3A_228] : memref<20104xf32, #tpu.memory_space<vmem>>[vector<16xi32>], vector<16xf32>,
    %swap3A_230 = arith.constant 720 : index
    %swap3A_231 = tpu.vector_load %arg7[%swap3A_230] {strides = array<i32>} : memref<1264xf32, #tpu.memory_space<vmem>>, vector<16xf32>,
    tpu.vector_store %arg7[%swap3A_230], %gather3A_229 {strides = array<i32>} : memref<1264xf32, #tpu.memory_space<vmem>>, vector<16xf32>,
    %get3A_232 = arith.constant 736 : index
    %get3A_233 = tpu.vector_load %arg6[%get3A_232] {strides = array<i32>} : memref<1264xi32, #tpu.memory_space<vmem>>, vector<16xi32>,
    %gather3A_234 = tpu.vector_load_idx %arg5[%get3A_233] : memref<20104xf32, #tpu.memory_space<vmem>>[vector<16xi32>], vector<16xf32>,
    %swap3A_235 = arith.constant 736 : index
    %swap3A_236 = tpu.vector_load %arg7[%swap3A_235] {strides = array<i32>} : memref<1264xf32, #tpu.memory_space<vmem>>, vector<16xf32>,
    tpu.vector_store %arg7[%swap3A_235], %gather3A_234 {strides = array<i32>} : memref<1264xf32, #tpu.memory_space<vmem>>, vector<16xf32>,
    %get3A_237 = arith.constant 752 : index
    %get3A_238 = tpu.vector_load %arg6[%get3A_237] {strides = array<i32>} : memref<1264xi32, #tpu.memory_space<vmem>>, vector<16xi32>,
    %gather3A_239 = tpu.vector_load_idx %arg5[%get3A_238] : memref<20104xf32, #tpu.memory_space<vmem>>[vector<16xi32>], vector<16xf32>,
    %swap3A_240 = arith.constant 752 : index
    %swap3A_241 = tpu.vector_load %arg7[%swap3A_240] {strides = array<i32>} : memref<1264xf32, #tpu.memory_space<vmem>>, vector<16xf32>,
    tpu.vector_store %arg7[%swap3A_240], %gather3A_239 {strides = array<i32>} : memref<1264xf32, #tpu.memory_space<vmem>>, vector<16xf32>,
    %get3A_242 = arith.constant 768 : index
    %get3A_243 = tpu.vector_load %arg6[%get3A_242] {strides = array<i32>} : memref<1264xi32, #tpu.memory_space<vmem>>, vector<16xi32>,
    %gather3A_244 = tpu.vector_load_idx %arg5[%get3A_243] : memref<20104xf32, #tpu.memory_space<vmem>>[vector<16xi32>], vector<16xf32>,
    %swap3A_245 = arith.constant 768 : index
    %swap3A_246 = tpu.vector_load %arg7[%swap3A_245] {strides = array<i32>} : memref<1264xf32, #tpu.memory_space<vmem>>, vector<16xf32>,
    tpu.vector_store %arg7[%swap3A_245], %gather3A_244 {strides = array<i32>} : memref<1264xf32, #tpu.memory_space<vmem>>, vector<16xf32>,
    %get3A_247 = arith.constant 784 : index
    %get3A_248 = tpu.vector_load %arg6[%get3A_247] {strides = array<i32>} : memref<1264xi32, #tpu.memory_space<vmem>>, vector<16xi32>,
    %gather3A_249 = tpu.vector_load_idx %arg5[%get3A_248] : memref<20104xf32, #tpu.memory_space<vmem>>[vector<16xi32>], vector<16xf32>,
    %swap3A_250 = arith.constant 784 : index
    %swap3A_251 = tpu.vector_load %arg7[%swap3A_250] {strides = array<i32>} : memref<1264xf32, #tpu.memory_space<vmem>>, vector<16xf32>,
    tpu.vector_store %arg7[%swap3A_250], %gather3A_249 {strides = array<i32>} : memref<1264xf32, #tpu.memory_space<vmem>>, vector<16xf32>,
    %get3A_252 = arith.constant 800 : index
    %get3A_253 = tpu.vector_load %arg6[%get3A_252] {strides = array<i32>} : memref<1264xi32, #tpu.memory_space<vmem>>, vector<16xi32>,
    %gather3A_254 = tpu.vector_load_idx %arg5[%get3A_253] : memref<20104xf32, #tpu.memory_space<vmem>>[vector<16xi32>], vector<16xf32>,
    %swap3A_255 = arith.constant 800 : index
    %swap3A_256 = tpu.vector_load %arg7[%swap3A_255] {strides = array<i32>} : memref<1264xf32, #tpu.memory_space<vmem>>, vector<16xf32>,
    tpu.vector_store %arg7[%swap3A_255], %gather3A_254 {strides = array<i32>} : memref<1264xf32, #tpu.memory_space<vmem>>, vector<16xf32>,
    %get3A_257 = arith.constant 816 : index
    %get3A_258 = tpu.vector_load %arg6[%get3A_257] {strides = array<i32>} : memref<1264xi32, #tpu.memory_space<vmem>>, vector<16xi32>,
    %gather3A_259 = tpu.vector_load_idx %arg5[%get3A_258] : memref<20104xf32, #tpu.memory_space<vmem>>[vector<16xi32>], vector<16xf32>,
    %swap3A_260 = arith.constant 816 : index
    %swap3A_261 = tpu.vector_load %arg7[%swap3A_260] {strides = array<i32>} : memref<1264xf32, #tpu.memory_space<vmem>>, vector<16xf32>,
    tpu.vector_store %arg7[%swap3A_260], %gather3A_259 {strides = array<i32>} : memref<1264xf32, #tpu.memory_space<vmem>>, vector<16xf32>,
    %get3A_262 = arith.constant 832 : index
    %get3A_263 = tpu.vector_load %arg6[%get3A_262] {strides = array<i32>} : memref<1264xi32, #tpu.memory_space<vmem>>, vector<16xi32>,
    %gather3A_264 = tpu.vector_load_idx %arg5[%get3A_263] : memref<20104xf32, #tpu.memory_space<vmem>>[vector<16xi32>], vector<16xf32>,
    %swap3A_265 = arith.constant 832 : index
    %swap3A_266 = tpu.vector_load %arg7[%swap3A_265] {strides = array<i32>} : memref<1264xf32, #tpu.memory_space<vmem>>, vector<16xf32>,
    tpu.vector_store %arg7[%swap3A_265], %gather3A_264 {strides = array<i32>} : memref<1264xf32, #tpu.memory_space<vmem>>, vector<16xf32>,
    %get3A_267 = arith.constant 848 : index
    %get3A_268 = tpu.vector_load %arg6[%get3A_267] {strides = array<i32>} : memref<1264xi32, #tpu.memory_space<vmem>>, vector<16xi32>,
    %gather3A_269 = tpu.vector_load_idx %arg5[%get3A_268] : memref<20104xf32, #tpu.memory_space<vmem>>[vector<16xi32>], vector<16xf32>,
    %swap3A_270 = arith.constant 848 : index
    %swap3A_271 = tpu.vector_load %arg7[%swap3A_270] {strides = array<i32>} : memref<1264xf32, #tpu.memory_space<vmem>>, vector<16xf32>,
    tpu.vector_store %arg7[%swap3A_270], %gather3A_269 {strides = array<i32>} : memref<1264xf32, #tpu.memory_space<vmem>>, vector<16xf32>,
    %get3A_272 = arith.constant 864 : index
    %get3A_273 = tpu.vector_load %arg6[%get3A_272] {strides = array<i32>} : memref<1264xi32, #tpu.memory_space<vmem>>, vector<16xi32>,
    %gather3A_274 = tpu.vector_load_idx %arg5[%get3A_273] : memref<20104xf32, #tpu.memory_space<vmem>>[vector<16xi32>], vector<16xf32>,
    %swap3A_275 = arith.constant 864 : index
    %swap3A_276 = tpu.vector_load %arg7[%swap3A_275] {strides = array<i32>} : memref<1264xf32, #tpu.memory_space<vmem>>, vector<16xf32>,
    tpu.vector_store %arg7[%swap3A_275], %gather3A_274 {strides = array<i32>} : memref<1264xf32, #tpu.memory_space<vmem>>, vector<16xf32>,
    %get3A_277 = arith.constant 880 : index
    %get3A_278 = tpu.vector_load %arg6[%get3A_277] {strides = array<i32>} : memref<1264xi32, #tpu.memory_space<vmem>>, vector<16xi32>,
    %gather3A_279 = tpu.vector_load_idx %arg5[%get3A_278] : memref<20104xf32, #tpu.memory_space<vmem>>[vector<16xi32>], vector<16xf32>,
    %swap3A_280 = arith.constant 880 : index
    %swap3A_281 = tpu.vector_load %arg7[%swap3A_280] {strides = array<i32>} : memref<1264xf32, #tpu.memory_space<vmem>>, vector<16xf32>,
    tpu.vector_store %arg7[%swap3A_280], %gather3A_279 {strides = array<i32>} : memref<1264xf32, #tpu.memory_space<vmem>>, vector<16xf32>,
    %get3A_282 = arith.constant 896 : index
    %get3A_283 = tpu.vector_load %arg6[%get3A_282] {strides = array<i32>} : memref<1264xi32, #tpu.memory_space<vmem>>, vector<16xi32>,
    %gather3A_284 = tpu.vector_load_idx %arg5[%get3A_283] : memref<20104xf32, #tpu.memory_space<vmem>>[vector<16xi32>], vector<16xf32>,
    %swap3A_285 = arith.constant 896 : index
    %swap3A_286 = tpu.vector_load %arg7[%swap3A_285] {strides = array<i32>} : memref<1264xf32, #tpu.memory_space<vmem>>, vector<16xf32>,
    tpu.vector_store %arg7[%swap3A_285], %gather3A_284 {strides = array<i32>} : memref<1264xf32, #tpu.memory_space<vmem>>, vector<16xf32>,
    %get3A_287 = arith.constant 912 : index
    %get3A_288 = tpu.vector_load %arg6[%get3A_287] {strides = array<i32>} : memref<1264xi32, #tpu.memory_space<vmem>>, vector<16xi32>,
    %gather3A_289 = tpu.vector_load_idx %arg5[%get3A_288] : memref<20104xf32, #tpu.memory_space<vmem>>[vector<16xi32>], vector<16xf32>,
    %swap3A_290 = arith.constant 912 : index
    %swap3A_291 = tpu.vector_load %arg7[%swap3A_290] {strides = array<i32>} : memref<1264xf32, #tpu.memory_space<vmem>>, vector<16xf32>,
    tpu.vector_store %arg7[%swap3A_290], %gather3A_289 {strides = array<i32>} : memref<1264xf32, #tpu.memory_space<vmem>>, vector<16xf32>,
    %get3A_292 = arith.constant 928 : index
    %get3A_293 = tpu.vector_load %arg6[%get3A_292] {strides = array<i32>} : memref<1264xi32, #tpu.memory_space<vmem>>, vector<16xi32>,
    %gather3A_294 = tpu.vector_load_idx %arg5[%get3A_293] : memref<20104xf32, #tpu.memory_space<vmem>>[vector<16xi32>], vector<16xf32>,
    %swap3A_295 = arith.constant 928 : index
    %swap3A_296 = tpu.vector_load %arg7[%swap3A_295] {strides = array<i32>} : memref<1264xf32, #tpu.memory_space<vmem>>, vector<16xf32>,
    tpu.vector_store %arg7[%swap3A_295], %gather3A_294 {strides = array<i32>} : memref<1264xf32, #tpu.memory_space<vmem>>, vector<16xf32>,
    %get3A_297 = arith.constant 944 : index
    %get3A_298 = tpu.vector_load %arg6[%get3A_297] {strides = array<i32>} : memref<1264xi32, #tpu.memory_space<vmem>>, vector<16xi32>,
    %gather3A_299 = tpu.vector_load_idx %arg5[%get3A_298] : memref<20104xf32, #tpu.memory_space<vmem>>[vector<16xi32>], vector<16xf32>,
    %swap3A_300 = arith.constant 944 : index
    %swap3A_301 = tpu.vector_load %arg7[%swap3A_300] {strides = array<i32>} : memref<1264xf32, #tpu.memory_space<vmem>>, vector<16xf32>,
    tpu.vector_store %arg7[%swap3A_300], %gather3A_299 {strides = array<i32>} : memref<1264xf32, #tpu.memory_space<vmem>>, vector<16xf32>,
    %get3A_302 = arith.constant 960 : index
    %get3A_303 = tpu.vector_load %arg6[%get3A_302] {strides = array<i32>} : memref<1264xi32, #tpu.memory_space<vmem>>, vector<16xi32>,
    %gather3A_304 = tpu.vector_load_idx %arg5[%get3A_303] : memref<20104xf32, #tpu.memory_space<vmem>>[vector<16xi32>], vector<16xf32>,
    %swap3A_305 = arith.constant 960 : index
    %swap3A_306 = tpu.vector_load %arg7[%swap3A_305] {strides = array<i32>} : memref<1264xf32, #tpu.memory_space<vmem>>, vector<16xf32>,
    tpu.vector_store %arg7[%swap3A_305], %gather3A_304 {strides = array<i32>} : memref<1264xf32, #tpu.memory_space<vmem>>, vector<16xf32>,
    %get3A_307 = arith.constant 976 : index
    %get3A_308 = tpu.vector_load %arg6[%get3A_307] {strides = array<i32>} : memref<1264xi32, #tpu.memory_space<vmem>>, vector<16xi32>,
    %gather3A_309 = tpu.vector_load_idx %arg5[%get3A_308] : memref<20104xf32, #tpu.memory_space<vmem>>[vector<16xi32>], vector<16xf32>,
    %swap3A_310 = arith.constant 976 : index
    %swap3A_311 = tpu.vector_load %arg7[%swap3A_310] {strides = array<i32>} : memref<1264xf32, #tpu.memory_space<vmem>>, vector<16xf32>,
    tpu.vector_store %arg7[%swap3A_310], %gather3A_309 {strides = array<i32>} : memref<1264xf32, #tpu.memory_space<vmem>>, vector<16xf32>,
    %get3A_312 = arith.constant 992 : index
    %get3A_313 = tpu.vector_load %arg6[%get3A_312] {strides = array<i32>} : memref<1264xi32, #tpu.memory_space<vmem>>, vector<16xi32>,
    %gather3A_314 = tpu.vector_load_idx %arg5[%get3A_313] : memref<20104xf32, #tpu.memory_space<vmem>>[vector<16xi32>], vector<16xf32>,
    %swap3A_315 = arith.constant 992 : index
    %swap3A_316 = tpu.vector_load %arg7[%swap3A_315] {strides = array<i32>} : memref<1264xf32, #tpu.memory_space<vmem>>, vector<16xf32>,
    tpu.vector_store %arg7[%swap3A_315], %gather3A_314 {strides = array<i32>} : memref<1264xf32, #tpu.memory_space<vmem>>, vector<16xf32>,
    %get3A_317 = arith.constant 1008 : index
    %get3A_318 = tpu.vector_load %arg6[%get3A_317] {strides = array<i32>} : memref<1264xi32, #tpu.memory_space<vmem>>, vector<16xi32>,
    %gather3A_319 = tpu.vector_load_idx %arg5[%get3A_318] : memref<20104xf32, #tpu.memory_space<vmem>>[vector<16xi32>], vector<16xf32>,
    %swap3A_320 = arith.constant 1008 : index
    %swap3A_321 = tpu.vector_load %arg7[%swap3A_320] {strides = array<i32>} : memref<1264xf32, #tpu.memory_space<vmem>>, vector<16xf32>,
    tpu.vector_store %arg7[%swap3A_320], %gather3A_319 {strides = array<i32>} : memref<1264xf32, #tpu.memory_space<vmem>>, vector<16xf32>,
    %get3A_322 = arith.constant 1024 : index
    %get3A_323 = tpu.vector_load %arg6[%get3A_322] {strides = array<i32>} : memref<1264xi32, #tpu.memory_space<vmem>>, vector<16xi32>,
    %gather3A_324 = tpu.vector_load_idx %arg5[%get3A_323] : memref<20104xf32, #tpu.memory_space<vmem>>[vector<16xi32>], vector<16xf32>,
    %swap3A_325 = arith.constant 1024 : index
    %swap3A_326 = tpu.vector_load %arg7[%swap3A_325] {strides = array<i32>} : memref<1264xf32, #tpu.memory_space<vmem>>, vector<16xf32>,
    tpu.vector_store %arg7[%swap3A_325], %gather3A_324 {strides = array<i32>} : memref<1264xf32, #tpu.memory_space<vmem>>, vector<16xf32>,
    %get3A_327 = arith.constant 1040 : index
    %get3A_328 = tpu.vector_load %arg6[%get3A_327] {strides = array<i32>} : memref<1264xi32, #tpu.memory_space<vmem>>, vector<16xi32>,
    %gather3A_329 = tpu.vector_load_idx %arg5[%get3A_328] : memref<20104xf32, #tpu.memory_space<vmem>>[vector<16xi32>], vector<16xf32>,
    %swap3A_330 = arith.constant 1040 : index
    %swap3A_331 = tpu.vector_load %arg7[%swap3A_330] {strides = array<i32>} : memref<1264xf32, #tpu.memory_space<vmem>>, vector<16xf32>,
    tpu.vector_store %arg7[%swap3A_330], %gather3A_329 {strides = array<i32>} : memref<1264xf32, #tpu.memory_space<vmem>>, vector<16xf32>,
    %get3A_332 = arith.constant 1056 : index
    %get3A_333 = tpu.vector_load %arg6[%get3A_332] {strides = array<i32>} : memref<1264xi32, #tpu.memory_space<vmem>>, vector<16xi32>,
    %gather3A_334 = tpu.vector_load_idx %arg5[%get3A_333] : memref<20104xf32, #tpu.memory_space<vmem>>[vector<16xi32>], vector<16xf32>,
    %swap3A_335 = arith.constant 1056 : index
    %swap3A_336 = tpu.vector_load %arg7[%swap3A_335] {strides = array<i32>} : memref<1264xf32, #tpu.memory_space<vmem>>, vector<16xf32>,
    tpu.vector_store %arg7[%swap3A_335], %gather3A_334 {strides = array<i32>} : memref<1264xf32, #tpu.memory_space<vmem>>, vector<16xf32>,
    %get3A_337 = arith.constant 1072 : index
    %get3A_338 = tpu.vector_load %arg6[%get3A_337] {strides = array<i32>} : memref<1264xi32, #tpu.memory_space<vmem>>, vector<16xi32>,
    %gather3A_339 = tpu.vector_load_idx %arg5[%get3A_338] : memref<20104xf32, #tpu.memory_space<vmem>>[vector<16xi32>], vector<16xf32>,
    %swap3A_340 = arith.constant 1072 : index
    %swap3A_341 = tpu.vector_load %arg7[%swap3A_340] {strides = array<i32>} : memref<1264xf32, #tpu.memory_space<vmem>>, vector<16xf32>,
    tpu.vector_store %arg7[%swap3A_340], %gather3A_339 {strides = array<i32>} : memref<1264xf32, #tpu.memory_space<vmem>>, vector<16xf32>,
    %get3A_342 = arith.constant 1088 : index
    %get3A_343 = tpu.vector_load %arg6[%get3A_342] {strides = array<i32>} : memref<1264xi32, #tpu.memory_space<vmem>>, vector<16xi32>,
    %gather3A_344 = tpu.vector_load_idx %arg5[%get3A_343] : memref<20104xf32, #tpu.memory_space<vmem>>[vector<16xi32>], vector<16xf32>,
    %swap3A_345 = arith.constant 1088 : index
    %swap3A_346 = tpu.vector_load %arg7[%swap3A_345] {strides = array<i32>} : memref<1264xf32, #tpu.memory_space<vmem>>, vector<16xf32>,
    tpu.vector_store %arg7[%swap3A_345], %gather3A_344 {strides = array<i32>} : memref<1264xf32, #tpu.memory_space<vmem>>, vector<16xf32>,
    %get3A_347 = arith.constant 1104 : index
    %get3A_348 = tpu.vector_load %arg6[%get3A_347] {strides = array<i32>} : memref<1264xi32, #tpu.memory_space<vmem>>, vector<16xi32>,
    %gather3A_349 = tpu.vector_load_idx %arg5[%get3A_348] : memref<20104xf32, #tpu.memory_space<vmem>>[vector<16xi32>], vector<16xf32>,
    %swap3A_350 = arith.constant 1104 : index
    %swap3A_351 = tpu.vector_load %arg7[%swap3A_350] {strides = array<i32>} : memref<1264xf32, #tpu.memory_space<vmem>>, vector<16xf32>,
    tpu.vector_store %arg7[%swap3A_350], %gather3A_349 {strides = array<i32>} : memref<1264xf32, #tpu.memory_space<vmem>>, vector<16xf32>,
    %get3A_352 = arith.constant 1120 : index
    %get3A_353 = tpu.vector_load %arg6[%get3A_352] {strides = array<i32>} : memref<1264xi32, #tpu.memory_space<vmem>>, vector<16xi32>,
    %gather3A_354 = tpu.vector_load_idx %arg5[%get3A_353] : memref<20104xf32, #tpu.memory_space<vmem>>[vector<16xi32>], vector<16xf32>,
    %swap3A_355 = arith.constant 1120 : index
    %swap3A_356 = tpu.vector_load %arg7[%swap3A_355] {strides = array<i32>} : memref<1264xf32, #tpu.memory_space<vmem>>, vector<16xf32>,
    tpu.vector_store %arg7[%swap3A_355], %gather3A_354 {strides = array<i32>} : memref<1264xf32, #tpu.memory_space<vmem>>, vector<16xf32>,
    %get3A_357 = arith.constant 1136 : index
    %get3A_358 = tpu.vector_load %arg6[%get3A_357] {strides = array<i32>} : memref<1264xi32, #tpu.memory_space<vmem>>, vector<16xi32>,
    %gather3A_359 = tpu.vector_load_idx %arg5[%get3A_358] : memref<20104xf32, #tpu.memory_space<vmem>>[vector<16xi32>], vector<16xf32>,
    %swap3A_360 = arith.constant 1136 : index
    %swap3A_361 = tpu.vector_load %arg7[%swap3A_360] {strides = array<i32>} : memref<1264xf32, #tpu.memory_space<vmem>>, vector<16xf32>,
    tpu.vector_store %arg7[%swap3A_360], %gather3A_359 {strides = array<i32>} : memref<1264xf32, #tpu.memory_space<vmem>>, vector<16xf32>,
    %get3A_362 = arith.constant 1152 : index
    %get3A_363 = tpu.vector_load %arg6[%get3A_362] {strides = array<i32>} : memref<1264xi32, #tpu.memory_space<vmem>>, vector<16xi32>,
    %gather3A_364 = tpu.vector_load_idx %arg5[%get3A_363] : memref<20104xf32, #tpu.memory_space<vmem>>[vector<16xi32>], vector<16xf32>,
    %swap3A_365 = arith.constant 1152 : index
    %swap3A_366 = tpu.vector_load %arg7[%swap3A_365] {strides = array<i32>} : memref<1264xf32, #tpu.memory_space<vmem>>, vector<16xf32>,
    tpu.vector_store %arg7[%swap3A_365], %gather3A_364 {strides = array<i32>} : memref<1264xf32, #tpu.memory_space<vmem>>, vector<16xf32>,
    %get3A_367 = arith.constant 1168 : index
    %get3A_368 = tpu.vector_load %arg6[%get3A_367] {strides = array<i32>} : memref<1264xi32, #tpu.memory_space<vmem>>, vector<16xi32>,
    %gather3A_369 = tpu.vector_load_idx %arg5[%get3A_368] : memref<20104xf32, #tpu.memory_space<vmem>>[vector<16xi32>], vector<16xf32>,
    %swap3A_370 = arith.constant 1168 : index
    %swap3A_371 = tpu.vector_load %arg7[%swap3A_370] {strides = array<i32>} : memref<1264xf32, #tpu.memory_space<vmem>>, vector<16xf32>,
    tpu.vector_store %arg7[%swap3A_370], %gather3A_369 {strides = array<i32>} : memref<1264xf32, #tpu.memory_space<vmem>>, vector<16xf32>,
    %get3A_372 = arith.constant 1184 : index
    %get3A_373 = tpu.vector_load %arg6[%get3A_372] {strides = array<i32>} : memref<1264xi32, #tpu.memory_space<vmem>>, vector<16xi32>,
    %gather3A_374 = tpu.vector_load_idx %arg5[%get3A_373] : memref<20104xf32, #tpu.memory_space<vmem>>[vector<16xi32>], vector<16xf32>,
    %swap3A_375 = arith.constant 1184 : index
    %swap3A_376 = tpu.vector_load %arg7[%swap3A_375] {strides = array<i32>} : memref<1264xf32, #tpu.memory_space<vmem>>, vector<16xf32>,
    tpu.vector_store %arg7[%swap3A_375], %gather3A_374 {strides = array<i32>} : memref<1264xf32, #tpu.memory_space<vmem>>, vector<16xf32>,
    %get3A_377 = arith.constant 1200 : index
    %get3A_378 = tpu.vector_load %arg6[%get3A_377] {strides = array<i32>} : memref<1264xi32, #tpu.memory_space<vmem>>, vector<16xi32>,
    %gather3A_379 = tpu.vector_load_idx %arg5[%get3A_378] : memref<20104xf32, #tpu.memory_space<vmem>>[vector<16xi32>], vector<16xf32>,
    %swap3A_380 = arith.constant 1200 : index
    %swap3A_381 = tpu.vector_load %arg7[%swap3A_380] {strides = array<i32>} : memref<1264xf32, #tpu.memory_space<vmem>>, vector<16xf32>,
    tpu.vector_store %arg7[%swap3A_380], %gather3A_379 {strides = array<i32>} : memref<1264xf32, #tpu.memory_space<vmem>>, vector<16xf32>,
    %get3A_382 = arith.constant 1216 : index
    %get3A_383 = tpu.vector_load %arg6[%get3A_382] {strides = array<i32>} : memref<1264xi32, #tpu.memory_space<vmem>>, vector<16xi32>,
    %gather3A_384 = tpu.vector_load_idx %arg5[%get3A_383] : memref<20104xf32, #tpu.memory_space<vmem>>[vector<16xi32>], vector<16xf32>,
    %swap3A_385 = arith.constant 1216 : index
    %swap3A_386 = tpu.vector_load %arg7[%swap3A_385] {strides = array<i32>} : memref<1264xf32, #tpu.memory_space<vmem>>, vector<16xf32>,
    tpu.vector_store %arg7[%swap3A_385], %gather3A_384 {strides = array<i32>} : memref<1264xf32, #tpu.memory_space<vmem>>, vector<16xf32>,
    %get3A_387 = arith.constant 1232 : index
    %get3A_388 = tpu.vector_load %arg6[%get3A_387] {strides = array<i32>} : memref<1264xi32, #tpu.memory_space<vmem>>, vector<16xi32>,
    %gather3A_389 = tpu.vector_load_idx %arg5[%get3A_388] : memref<20104xf32, #tpu.memory_space<vmem>>[vector<16xi32>], vector<16xf32>,
    %swap3A_390 = arith.constant 1232 : index
    %swap3A_391 = tpu.vector_load %arg7[%swap3A_390] {strides = array<i32>} : memref<1264xf32, #tpu.memory_space<vmem>>, vector<16xf32>,
    tpu.vector_store %arg7[%swap3A_390], %gather3A_389 {strides = array<i32>} : memref<1264xf32, #tpu.memory_space<vmem>>, vector<16xf32>,
    %get3A_392 = arith.constant 1248 : index
    %get3A_393 = tpu.vector_load %arg6[%get3A_392] {strides = array<i32>} : memref<1264xi32, #tpu.memory_space<vmem>>, vector<16xi32>,
    %gather3A_394 = tpu.vector_load_idx %arg5[%get3A_393] : memref<20104xf32, #tpu.memory_space<vmem>>[vector<16xi32>], vector<16xf32>,
    %swap3A_395 = arith.constant 1248 : index
    %swap3A_396 = tpu.vector_load %arg7[%swap3A_395] {strides = array<i32>} : memref<1264xf32, #tpu.memory_space<vmem>>, vector<16xf32>,
    tpu.vector_store %arg7[%swap3A_395], %gather3A_394 {strides = array<i32>} : memref<1264xf32, #tpu.memory_space<vmem>>, vector<16xf32>,
    "tpu.region"() ({
      %run_scoped3A = tpu.sem_alloc : memref<!tpu.dma_semaphore, #tpu.memory_space<semaphore_mem>>
      %dma_start3A = tpu.memref_slice %arg4[%mul3A_2] : memref<40448xf32, #tpu.memory_space<hbm>> -> memref<1264xf32, #tpu.memory_space<hbm>>
      %dma_start3A_397 = tpu.memref_slice %arg4[%mul3A_2] : memref<40448xf32, #tpu.memory_space<hbm>> -> memref<1264xf32, #tpu.memory_space<hbm>>
      tpu.enqueue_dma source(%arg7 : memref<1264xf32, #tpu.memory_space<vmem>>) target(%dma_start3A_397 : memref<1264xf32, #tpu.memory_space<hbm>>) target_semaphore(%run_scoped3A : memref<!tpu.dma_semaphore, #tpu.memory_space<semaphore_mem>>)
      %dma_wait3A = tpu.memref_slice %arg4[%mul3A_2] : memref<40448xf32, #tpu.memory_space<hbm>> -> memref<1264xf32, #tpu.memory_space<hbm>>
      %dma_wait3A_398 = tpu.memref_slice %arg4[%mul3A_2] : memref<40448xf32, #tpu.memory_space<hbm>> -> memref<1264xf32, #tpu.memory_space<hbm>>
      tpu.wait_dma2 semaphore(%run_scoped3A : memref<!tpu.dma_semaphore, #tpu.memory_space<semaphore_mem>>) src(%arg7 : memref<1264xf32, #tpu.memory_space<vmem>>) dst(%dma_wait3A_398 : memref<1264xf32, #tpu.memory_space<hbm>>)
      tpu.yield
    }) : () -> ()
    return
  }
}

module attributes {stable_mosaic.version = 14 : i64} {
  func.func @_fused_body(%arg0: memref<200x200xf32, #tpu.memory_space<vmem>>, %arg1: memref<200x200xf32, #tpu.memory_space<vmem>>, %arg2: memref<200x200xf32, #tpu.memory_space<vmem>>, %arg3: memref<200x200xf32, #tpu.memory_space<vmem>>, %arg4: memref<200x320xf32, #tpu.memory_space<vmem>>, %arg5: memref<1x1xf32, #tpu.memory_space<vmem>>, %arg6: memref<1x1xf32, #tpu.memory_space<vmem>>, %arg7: memref<1x1xf32, #tpu.memory_space<vmem>>, %arg8: memref<1x1xf32, #tpu.memory_space<vmem>>, %arg9: memref<1x1xf32, #tpu.memory_space<vmem>>, %arg10: memref<1x1xf32, #tpu.memory_space<vmem>>, %arg11: memref<5x128xf32, #tpu.memory_space<vmem>>, %arg12: memref<1x128xf32, #tpu.memory_space<vmem>>, %arg13: memref<64x128xf32, #tpu.memory_space<vmem>>, %arg14: memref<128x3xf32, #tpu.memory_space<vmem>>, %arg15: memref<1x3xf32, #tpu.memory_space<vmem>>, %arg16: memref<64x3xf32, #tpu.memory_space<vmem>>) attributes {dimension_semantics = [], scalar_prefetch = 0 : i64, scratch_operands = 0 : i64, tpu.core_type = #tpu.core_type<tc>} {
    %get3A = arith.constant 0 : index
    %get3A_0 = arith.constant 0 : index
    %get3A_1 = vector.load %arg0[%get3A, %get3A_0] : memref<200x200xf32, #tpu.memory_space<vmem>>, vector<200x200xf32>
    %abs3A = math.absf %get3A_1 : vector<200x200xf32>
    %reduce_sum3A = arith.constant dense<0.000000e+00> : vector<200xf32>
    %reduce_sum3A_2 = vector.multi_reduction <add>, %abs3A, %reduce_sum3A [1] : vector<200x200xf32> to vector<200xf32>
    %broadcast_in_dim3A = vector.shape_cast %reduce_sum3A_2 : vector<200xf32> to vector<200x1xf32>
    %reduce_sum3A_3 = arith.constant dense<0.000000e+00> : vector<200xf32>
    %reduce_sum3A_4 = vector.multi_reduction <add>, %abs3A, %reduce_sum3A_3 [0] : vector<200x200xf32> to vector<200xf32>
    %broadcast_in_dim3A_5 = vector.shape_cast %reduce_sum3A_4 : vector<200xf32> to vector<1x200xf32>
    %gt3A = arith.constant 0.000000e+00 : f32
    %gt3A_6 = vector.broadcast %gt3A : f32 to vector<200x1xf32>
    %gt3A_7 = arith.cmpf ogt, %broadcast_in_dim3A, %gt3A_6 : vector<200x1xf32>
    %gt3A_8 = arith.constant 0.000000e+00 : f32
    %gt3A_9 = vector.broadcast %gt3A_8 : f32 to vector<200x1xf32>
    %gt3A_10 = arith.cmpf ogt, %broadcast_in_dim3A, %gt3A_9 : vector<200x1xf32>
    %jit3A = arith.constant 1.000000e+00 : f32
    %broadcast_in_dim3A_11 = vector.broadcast %jit3A : f32 to vector<200x1xf32>
    %select_n3A = arith.select %gt3A_10, %broadcast_in_dim3A, %broadcast_in_dim3A_11 : vector<200x1xi1>, vector<200x1xf32>
    %rsqrt3A = math.rsqrt %select_n3A : vector<200x1xf32>
    %jit3A_12 = arith.constant 0.000000e+00 : f32
    %broadcast_in_dim3A_13 = vector.broadcast %jit3A_12 : f32 to vector<200x1xf32>
    %select_n3A_14 = arith.select %gt3A_7, %rsqrt3A, %broadcast_in_dim3A_13 : vector<200x1xi1>, vector<200x1xf32>
    %gt3A_15 = arith.constant 0.000000e+00 : f32
    %gt3A_16 = vector.broadcast %gt3A_15 : f32 to vector<1x200xf32>
    %gt3A_17 = arith.cmpf ogt, %broadcast_in_dim3A_5, %gt3A_16 : vector<1x200xf32>
    %gt3A_18 = arith.constant 0.000000e+00 : f32
    %gt3A_19 = vector.broadcast %gt3A_18 : f32 to vector<1x200xf32>
    %gt3A_20 = arith.cmpf ogt, %broadcast_in_dim3A_5, %gt3A_19 : vector<1x200xf32>
    %jit3A_21 = arith.constant 1.000000e+00 : f32
    %broadcast_in_dim3A_22 = vector.broadcast %jit3A_21 : f32 to vector<1x200xf32>
    %select_n3A_23 = arith.select %gt3A_20, %broadcast_in_dim3A_5, %broadcast_in_dim3A_22 : vector<1x200xi1>, vector<1x200xf32>
    %rsqrt3A_24 = math.rsqrt %select_n3A_23 : vector<1x200xf32>
    %jit3A_25 = arith.constant 0.000000e+00 : f32
    %broadcast_in_dim3A_26 = vector.broadcast %jit3A_25 : f32 to vector<1x200xf32>
    %select_n3A_27 = arith.select %gt3A_17, %rsqrt3A_24, %broadcast_in_dim3A_26 : vector<1x200xi1>, vector<1x200xf32>
    %mul3A = vector.broadcast %select_n3A_14 : vector<200x1xf32> to vector<200x200xf32>
    %mul3A_28 = arith.mulf %mul3A, %get3A_1 : vector<200x200xf32>
    %mul3A_29 = vector.broadcast %select_n3A_27 : vector<1x200xf32> to vector<200x200xf32>
    %mul3A_30 = arith.mulf %mul3A_28, %mul3A_29 : vector<200x200xf32>
    %get3A_31 = arith.constant 0 : index
    %get3A_32 = arith.constant 0 : index
    %get3A_33 = vector.load %arg5[%get3A_31, %get3A_32] : memref<1x1xf32, #tpu.memory_space<vmem>>, vector<1x1xf32>
    %get3A_34 = vector.extract %get3A_33[0, 0] : f32 from vector<1x1xf32>
    %get3A_35 = arith.constant 0 : index
    %get3A_36 = arith.constant 0 : index
    %get3A_37 = vector.load %arg6[%get3A_35, %get3A_36] : memref<1x1xf32, #tpu.memory_space<vmem>>, vector<1x1xf32>
    %get3A_38 = vector.extract %get3A_37[0, 0] : f32 from vector<1x1xf32>
    %get3A_39 = arith.constant 0 : index
    %get3A_40 = arith.constant 0 : index
    %get3A_41 = vector.load %arg7[%get3A_39, %get3A_40] : memref<1x1xf32, #tpu.memory_space<vmem>>, vector<1x1xf32>
    %get3A_42 = vector.extract %get3A_41[0, 0] : f32 from vector<1x1xf32>
    %jit3A_43 = arith.constant -1.000000e+01 : f32
    %max3A = arith.maximumf %jit3A_43, %get3A_34 : f32
    %custom_jvp_call3A = arith.constant 0.000000e+00 : f32
    %max3A_44 = arith.maximumf %max3A, %custom_jvp_call3A : f32
    %sub3A = arith.subf %max3A, %custom_jvp_call3A : f32
    %ne3A = arith.cmpf one, %sub3A, %sub3A : f32
    %add3A = arith.addf %max3A, %custom_jvp_call3A : f32
    %abs3A_45 = math.absf %sub3A : f32
    %neg3A = arith.constant 0.000000e+00 : f32
    %neg3A_46 = arith.subf %neg3A, %abs3A_45 : f32
    %exp3A = math.exp %neg3A_46 : f32
    %log1p3A = math.log1p %exp3A : f32
    %add3A_47 = arith.addf %max3A_44, %log1p3A : f32
    %select_n3A_48 = arith.select %ne3A, %add3A, %add3A_47 : f32
    %jit3A_49 = arith.constant -1.000000e+01 : f32
    %jit3A_50 = arith.constant 5.000000e+01 : f32
    %max3A_51 = arith.maximumf %jit3A_49, %get3A_38 : f32
    %min3A = arith.minimumf %jit3A_50, %max3A_51 : f32
    %custom_jvp_call3A_52 = arith.constant 0.000000e+00 : f32
    %max3A_53 = arith.maximumf %min3A, %custom_jvp_call3A_52 : f32
    %sub3A_54 = arith.subf %min3A, %custom_jvp_call3A_52 : f32
    %ne3A_55 = arith.cmpf one, %sub3A_54, %sub3A_54 : f32
    %add3A_56 = arith.addf %min3A, %custom_jvp_call3A_52 : f32
    %abs3A_57 = math.absf %sub3A_54 : f32
    %neg3A_58 = arith.constant 0.000000e+00 : f32
    %neg3A_59 = arith.subf %neg3A_58, %abs3A_57 : f32
    %exp3A_60 = math.exp %neg3A_59 : f32
    %log1p3A_61 = math.log1p %exp3A_60 : f32
    %add3A_62 = arith.addf %max3A_53, %log1p3A_61 : f32
    %select_n3A_63 = arith.select %ne3A_55, %add3A_56, %add3A_62 : f32
    %jit3A_64 = arith.constant 9.99999997E-7 : f32
    %jit3A_65 = arith.constant 0.999998986 : f32
    %max3A_66 = arith.maximumf %jit3A_64, %get3A_42 : f32
    %min3A_67 = arith.minimumf %jit3A_65, %max3A_66 : f32
    %log3A = math.log %min3A_67 : f32
    %div3A = arith.divf %log3A, %select_n3A_63 : f32
    %exp3A_68 = math.exp %div3A : f32
    %neg3A_69 = arith.constant 0.000000e+00 : f32
    %neg3A_70 = arith.subf %neg3A_69, %exp3A_68 : f32
    %log1p3A_71 = math.log1p %neg3A_70 : f32
    %div3A_72 = arith.divf %log1p3A_71, %select_n3A_48 : f32
    %exp3A_73 = math.exp %div3A_72 : f32
    %log3A_74 = math.log %exp3A_73 : f32
    %neg3A_75 = arith.constant 0.000000e+00 : f32
    %neg3A_76 = arith.subf %neg3A_75, %exp3A_73 : f32
    %log1p3A_77 = math.log1p %neg3A_76 : f32
    %sub3A_78 = arith.subf %log3A_74, %log1p3A_77 : f32
    %get3A_79 = arith.constant 0 : index
    %get3A_80 = arith.constant 0 : index
    %get3A_81 = vector.load %arg8[%get3A_79, %get3A_80] : memref<1x1xf32, #tpu.memory_space<vmem>>, vector<1x1xf32>
    %get3A_82 = vector.extract %get3A_81[0, 0] : f32 from vector<1x1xf32>
    %get3A_83 = arith.constant 0 : index
    %get3A_84 = arith.constant 0 : index
    %get3A_85 = vector.load %arg9[%get3A_83, %get3A_84] : memref<1x1xf32, #tpu.memory_space<vmem>>, vector<1x1xf32>
    %get3A_86 = vector.extract %get3A_85[0, 0] : f32 from vector<1x1xf32>
    %get3A_87 = arith.constant 0 : index
    %get3A_88 = arith.constant 0 : index
    %get3A_89 = vector.load %arg10[%get3A_87, %get3A_88] : memref<1x1xf32, #tpu.memory_space<vmem>>, vector<1x1xf32>
    %get3A_90 = vector.extract %get3A_89[0, 0] : f32 from vector<1x1xf32>
    %jit3A_91 = arith.constant -1.000000e+01 : f32
    %max3A_92 = arith.maximumf %jit3A_91, %get3A_82 : f32
    %custom_jvp_call3A_93 = arith.constant 0.000000e+00 : f32
    %max3A_94 = arith.maximumf %max3A_92, %custom_jvp_call3A_93 : f32
    %sub3A_95 = arith.subf %max3A_92, %custom_jvp_call3A_93 : f32
    %ne3A_96 = arith.cmpf one, %sub3A_95, %sub3A_95 : f32
    %add3A_97 = arith.addf %max3A_92, %custom_jvp_call3A_93 : f32
    %abs3A_98 = math.absf %sub3A_95 : f32
    %neg3A_99 = arith.constant 0.000000e+00 : f32
    %neg3A_100 = arith.subf %neg3A_99, %abs3A_98 : f32
    %exp3A_101 = math.exp %neg3A_100 : f32
    %log1p3A_102 = math.log1p %exp3A_101 : f32
    %add3A_103 = arith.addf %max3A_94, %log1p3A_102 : f32
    %select_n3A_104 = arith.select %ne3A_96, %add3A_97, %add3A_103 : f32
    %jit3A_105 = arith.constant -1.000000e+01 : f32
    %jit3A_106 = arith.constant 5.000000e+01 : f32
    %max3A_107 = arith.maximumf %jit3A_105, %get3A_86 : f32
    %min3A_108 = arith.minimumf %jit3A_106, %max3A_107 : f32
    %custom_jvp_call3A_109 = arith.constant 0.000000e+00 : f32
    %max3A_110 = arith.maximumf %min3A_108, %custom_jvp_call3A_109 : f32
    %sub3A_111 = arith.subf %min3A_108, %custom_jvp_call3A_109 : f32
    %ne3A_112 = arith.cmpf one, %sub3A_111, %sub3A_111 : f32
    %add3A_113 = arith.addf %min3A_108, %custom_jvp_call3A_109 : f32
    %abs3A_114 = math.absf %sub3A_111 : f32
    %neg3A_115 = arith.constant 0.000000e+00 : f32
    %neg3A_116 = arith.subf %neg3A_115, %abs3A_114 : f32
    %exp3A_117 = math.exp %neg3A_116 : f32
    %log1p3A_118 = math.log1p %exp3A_117 : f32
    %add3A_119 = arith.addf %max3A_110, %log1p3A_118 : f32
    %select_n3A_120 = arith.select %ne3A_112, %add3A_113, %add3A_119 : f32
    %jit3A_121 = arith.constant 9.99999997E-7 : f32
    %jit3A_122 = arith.constant 0.999998986 : f32
    %max3A_123 = arith.maximumf %jit3A_121, %get3A_90 : f32
    %min3A_124 = arith.minimumf %jit3A_122, %max3A_123 : f32
    %log3A_125 = math.log %min3A_124 : f32
    %div3A_126 = arith.divf %log3A_125, %select_n3A_120 : f32
    %exp3A_127 = math.exp %div3A_126 : f32
    %neg3A_128 = arith.constant 0.000000e+00 : f32
    %neg3A_129 = arith.subf %neg3A_128, %exp3A_127 : f32
    %log1p3A_130 = math.log1p %neg3A_129 : f32
    %div3A_131 = arith.divf %log1p3A_130, %select_n3A_104 : f32
    %exp3A_132 = math.exp %div3A_131 : f32
    %log3A_133 = math.log %exp3A_132 : f32
    %neg3A_134 = arith.constant 0.000000e+00 : f32
    %neg3A_135 = arith.subf %neg3A_134, %exp3A_132 : f32
    %log1p3A_136 = math.log1p %neg3A_135 : f32
    %sub3A_137 = arith.subf %log3A_133, %log1p3A_136 : f32
    %get3A_138 = arith.constant 0 : index
    %get3A_139 = arith.constant 0 : index
    %get3A_140 = vector.load %arg1[%get3A_138, %get3A_139] : memref<200x200xf32, #tpu.memory_space<vmem>>, vector<200x200xf32>
    %jit3A_141 = arith.constant 9.99999997E-7 : f32
    %jit3A_142 = arith.constant 0.999998986 : f32
    %max3A_143 = vector.broadcast %jit3A_141 : f32 to vector<200x200xf32>
    %max3A_144 = arith.maximumf %max3A_143, %get3A_140 : vector<200x200xf32>
    %min3A_145 = vector.broadcast %jit3A_142 : f32 to vector<200x200xf32>
    %min3A_146 = arith.minimumf %min3A_145, %max3A_144 : vector<200x200xf32>
    %log3A_147 = math.log %min3A_146 : vector<200x200xf32>
    %add3A_148 = vector.broadcast %sub3A_78 : f32 to vector<200x200xf32>
    %add3A_149 = arith.addf %add3A_148, %log3A_147 : vector<200x200xf32>
    %neg3A_150 = arith.constant 0.000000e+00 : f32
    %neg3A_151 = vector.broadcast %neg3A_150 : f32 to vector<200x200xf32>
    %neg3A_152 = arith.subf %neg3A_151, %min3A_146 : vector<200x200xf32>
    %log1p3A_153 = math.log1p %neg3A_152 : vector<200x200xf32>
    %sub3A_154 = arith.subf %add3A_149, %log1p3A_153 : vector<200x200xf32>
    %div3A_155 = arith.constant 6.000000e-01 : f32
    %div3A_156 = vector.broadcast %div3A_155 : f32 to vector<200x200xf32>
    %div3A_157 = arith.divf %sub3A_154, %div3A_156 : vector<200x200xf32>
    %logistic3A = arith.negf %div3A_157 : vector<200x200xf32>
    %logistic3A_158 = math.exp %logistic3A : vector<200x200xf32>
    %logistic3A_159 = arith.constant 1.000000e+00 : f32
    %logistic3A_160 = vector.broadcast %logistic3A_159 : f32 to vector<200x200xf32>
    %logistic3A_161 = arith.addf %logistic3A_160, %logistic3A_158 : vector<200x200xf32>
    %logistic3A_162 = arith.divf %logistic3A_160, %logistic3A_161 : vector<200x200xf32>
    %get3A_163 = arith.constant 0 : index
    %get3A_164 = arith.constant 0 : index
    %get3A_165 = vector.load %arg2[%get3A_163, %get3A_164] : memref<200x200xf32, #tpu.memory_space<vmem>>, vector<200x200xf32>
    %jit3A_166 = arith.constant 9.99999997E-7 : f32
    %jit3A_167 = arith.constant 0.999998986 : f32
    %max3A_168 = vector.broadcast %jit3A_166 : f32 to vector<200x200xf32>
    %max3A_169 = arith.maximumf %max3A_168, %get3A_165 : vector<200x200xf32>
    %min3A_170 = vector.broadcast %jit3A_167 : f32 to vector<200x200xf32>
    %min3A_171 = arith.minimumf %min3A_170, %max3A_169 : vector<200x200xf32>
    %log3A_172 = math.log %min3A_171 : vector<200x200xf32>
    %add3A_173 = vector.broadcast %sub3A_137 : f32 to vector<200x200xf32>
    %add3A_174 = arith.addf %add3A_173, %log3A_172 : vector<200x200xf32>
    %neg3A_175 = arith.constant 0.000000e+00 : f32
    %neg3A_176 = vector.broadcast %neg3A_175 : f32 to vector<200x200xf32>
    %neg3A_177 = arith.subf %neg3A_176, %min3A_171 : vector<200x200xf32>
    %log1p3A_178 = math.log1p %neg3A_177 : vector<200x200xf32>
    %sub3A_179 = arith.subf %add3A_174, %log1p3A_178 : vector<200x200xf32>
    %div3A_180 = arith.constant 6.000000e-01 : f32
    %div3A_181 = vector.broadcast %div3A_180 : f32 to vector<200x200xf32>
    %div3A_182 = arith.divf %sub3A_179, %div3A_181 : vector<200x200xf32>
    %logistic3A_183 = arith.negf %div3A_182 : vector<200x200xf32>
    %logistic3A_184 = math.exp %logistic3A_183 : vector<200x200xf32>
    %logistic3A_185 = arith.constant 1.000000e+00 : f32
    %logistic3A_186 = vector.broadcast %logistic3A_185 : f32 to vector<200x200xf32>
    %logistic3A_187 = arith.addf %logistic3A_186, %logistic3A_184 : vector<200x200xf32>
    %logistic3A_188 = arith.divf %logistic3A_186, %logistic3A_187 : vector<200x200xf32>
    %get3A_189 = arith.constant 0 : index
    %get3A_190 = arith.constant 0 : index
    %get3A_191 = vector.load %arg3[%get3A_189, %get3A_190] : memref<200x200xf32, #tpu.memory_space<vmem>>, vector<200x200xf32>
    %jit3A_192 = arith.constant 9.99999997E-7 : f32
    %jit3A_193 = arith.constant 0.999998986 : f32
    %max3A_194 = vector.broadcast %jit3A_192 : f32 to vector<200x200xf32>
    %max3A_195 = arith.maximumf %max3A_194, %get3A_191 : vector<200x200xf32>
    %min3A_196 = vector.broadcast %jit3A_193 : f32 to vector<200x200xf32>
    %min3A_197 = arith.minimumf %min3A_196, %max3A_195 : vector<200x200xf32>
    %log3A_198 = math.log %min3A_197 : vector<200x200xf32>
    %add3A_199 = vector.broadcast %sub3A_137 : f32 to vector<200x200xf32>
    %add3A_200 = arith.addf %add3A_199, %log3A_198 : vector<200x200xf32>
    %neg3A_201 = arith.constant 0.000000e+00 : f32
    %neg3A_202 = vector.broadcast %neg3A_201 : f32 to vector<200x200xf32>
    %neg3A_203 = arith.subf %neg3A_202, %min3A_197 : vector<200x200xf32>
    %log1p3A_204 = math.log1p %neg3A_203 : vector<200x200xf32>
    %sub3A_205 = arith.subf %add3A_200, %log1p3A_204 : vector<200x200xf32>
    %div3A_206 = arith.constant 6.000000e-01 : f32
    %div3A_207 = vector.broadcast %div3A_206 : f32 to vector<200x200xf32>
    %div3A_208 = arith.divf %sub3A_205, %div3A_207 : vector<200x200xf32>
    %logistic3A_209 = arith.negf %div3A_208 : vector<200x200xf32>
    %logistic3A_210 = math.exp %logistic3A_209 : vector<200x200xf32>
    %logistic3A_211 = arith.constant 1.000000e+00 : f32
    %logistic3A_212 = vector.broadcast %logistic3A_211 : f32 to vector<200x200xf32>
    %logistic3A_213 = arith.addf %logistic3A_212, %logistic3A_210 : vector<200x200xf32>
    %logistic3A_214 = arith.divf %logistic3A_212, %logistic3A_213 : vector<200x200xf32>
    %get3A_215 = arith.constant 0 : index
    %get3A_216 = arith.constant 0 : index
    %get3A_217 = vector.load %arg4[%get3A_215, %get3A_216] : memref<200x320xf32, #tpu.memory_space<vmem>>, vector<200x320xf32>
    %mul3A_218 = arith.constant 1.000000e-01 : f32
    %mul3A_219 = vector.broadcast %mul3A_218 : f32 to vector<200x320xf32>
    %mul3A_220 = arith.mulf %mul3A_219, %get3A_217 : vector<200x320xf32>
    %mul3A_221 = arith.mulf %logistic3A_162, %mul3A_30 : vector<200x200xf32>
    %dot_general3A = arith.constant dense<0.000000e+00> : vector<200x320xf32>
    %dot_general3A_222 = tpu.matmul %mul3A_221, %get3A_217, %dot_general3A {dimension_numbers = #tpu.dot_dimension_numbers<[0], [0], [1], [1], [0, 1, 1, 1], [], []>, transpose_lhs_hint = false} : vector<200x200xf32>, vector<200x320xf32>, vector<200x320xf32> -> vector<200x320xf32>
    %mul3A_223 = arith.constant 4.500000e-01 : f32
    %mul3A_224 = vector.broadcast %mul3A_223 : f32 to vector<200x320xf32>
    %mul3A_225 = arith.mulf %mul3A_224, %dot_general3A_222 : vector<200x320xf32>
    %add3A_226 = arith.addf %mul3A_220, %mul3A_225 : vector<200x320xf32>
    %mul3A_227 = arith.constant 1.000000e-01 : f32
    %mul3A_228 = vector.broadcast %mul3A_227 : f32 to vector<200x320xf32>
    %mul3A_229 = arith.mulf %mul3A_228, %add3A_226 : vector<200x320xf32>
    %dot_general3A_230 = arith.constant dense<0.000000e+00> : vector<200x320xf32>
    %dot_general3A_231 = tpu.matmul %mul3A_30, %add3A_226, %dot_general3A_230 {dimension_numbers = #tpu.dot_dimension_numbers<[0], [0], [1], [1], [0, 1, 1, 1], [], []>, transpose_lhs_hint = false} : vector<200x200xf32>, vector<200x320xf32>, vector<200x320xf32> -> vector<200x320xf32>
    %mul3A_232 = arith.constant 4.500000e-01 : f32
    %mul3A_233 = vector.broadcast %mul3A_232 : f32 to vector<200x320xf32>
    %mul3A_234 = arith.mulf %mul3A_233, %dot_general3A_231 : vector<200x320xf32>
    %add3A_235 = arith.addf %mul3A_229, %mul3A_234 : vector<200x320xf32>
    %mul3A_236 = arith.constant 1.000000e-01 : f32
    %mul3A_237 = vector.broadcast %mul3A_236 : f32 to vector<200x320xf32>
    %mul3A_238 = arith.mulf %mul3A_237, %add3A_235 : vector<200x320xf32>
    %mul3A_239 = arith.mulf %logistic3A_188, %mul3A_30 : vector<200x200xf32>
    %dot_general3A_240 = arith.constant dense<0.000000e+00> : vector<200x320xf32>
    %dot_general3A_241 = tpu.matmul %mul3A_239, %add3A_235, %dot_general3A_240 {dimension_numbers = #tpu.dot_dimension_numbers<[0], [0], [1], [1], [0, 1, 1, 1], [], []>, transpose_lhs_hint = false} : vector<200x200xf32>, vector<200x320xf32>, vector<200x320xf32> -> vector<200x320xf32>
    %mul3A_242 = arith.constant 4.500000e-01 : f32
    %mul3A_243 = vector.broadcast %mul3A_242 : f32 to vector<200x320xf32>
    %mul3A_244 = arith.mulf %mul3A_243, %dot_general3A_241 : vector<200x320xf32>
    %add3A_245 = arith.addf %mul3A_238, %mul3A_244 : vector<200x320xf32>
    %mul3A_246 = arith.constant 1.000000e-01 : f32
    %mul3A_247 = vector.broadcast %mul3A_246 : f32 to vector<200x320xf32>
    %mul3A_248 = arith.mulf %mul3A_247, %add3A_235 : vector<200x320xf32>
    %mul3A_249 = arith.mulf %logistic3A_214, %mul3A_30 : vector<200x200xf32>
    %dot_general3A_250 = arith.constant dense<0.000000e+00> : vector<200x320xf32>
    %dot_general3A_251 = tpu.matmul %mul3A_249, %add3A_235, %dot_general3A_250 {dimension_numbers = #tpu.dot_dimension_numbers<[0], [0], [1], [1], [0, 1, 1, 1], [], []>, transpose_lhs_hint = false} : vector<200x200xf32>, vector<200x320xf32>, vector<200x320xf32> -> vector<200x320xf32>
    %mul3A_252 = arith.constant 4.500000e-01 : f32
    %mul3A_253 = vector.broadcast %mul3A_252 : f32 to vector<200x320xf32>
    %mul3A_254 = arith.mulf %mul3A_253, %dot_general3A_251 : vector<200x320xf32>
    %add3A_255 = arith.addf %mul3A_248, %mul3A_254 : vector<200x320xf32>
    %get3A_256 = arith.constant 0 : index
    %get3A_257 = arith.constant 0 : index
    %get3A_258 = vector.load %arg11[%get3A_256, %get3A_257] : memref<5x128xf32, #tpu.memory_space<vmem>>, vector<5x128xf32>
    %get3A_259 = arith.constant 0 : index
    %get3A_260 = arith.constant 0 : index
    %get3A_261 = vector.load %arg12[%get3A_259, %get3A_260] : memref<1x128xf32, #tpu.memory_space<vmem>>, vector<1x128xf32>
    %get3A_262 = arith.constant 0 : index
    %get3A_263 = arith.constant 0 : index
    %get3A_264 = vector.load %arg14[%get3A_262, %get3A_263] : memref<128x3xf32, #tpu.memory_space<vmem>>, vector<128x3xf32>
    %get3A_265 = arith.constant 0 : index
    %get3A_266 = arith.constant 0 : index
    %get3A_267 = vector.load %arg15[%get3A_265, %get3A_266] : memref<1x3xf32, #tpu.memory_space<vmem>>, vector<1x3xf32>
    %get3A_268 = arith.constant 0 : index
    %get3A_269 = arith.constant 0 : index
    %get3A_270 = vector.load %arg13[%get3A_268, %get3A_269] : memref<64x128xf32, #tpu.memory_space<vmem>>, vector<64x128xf32>
    %iota3A = tpu.iota {dimensions = array<i32: 1>} : vector<8x1600xi32>
    %iota3A_271 = tpu.iota {dimensions = array<i32: 0>} : vector<8x1600xi32>
    %jit3A_272 = arith.constant 200 : i32
    %div3A_273 = vector.broadcast %jit3A_272 : i32 to vector<8x1600xi32>
    %div3A_274 = arith.divsi %iota3A, %div3A_273 : vector<8x1600xi32>
    %sign3A = arith.constant 0 : i32
    %sign3A_275 = vector.broadcast %sign3A : i32 to vector<8x1600xi32>
    %sign3A_276 = arith.cmpi sgt, %iota3A, %sign3A_275 : vector<8x1600xi32>
    %sign3A_277 = arith.extui %sign3A_276 : vector<8x1600xi1> to vector<8x1600xi32>
    %sign3A_278 = arith.constant 0 : i32
    %sign3A_279 = vector.broadcast %sign3A_278 : i32 to vector<8x1600xi32>
    %sign3A_280 = arith.cmpi slt, %iota3A, %sign3A_279 : vector<8x1600xi32>
    %sign3A_281 = arith.extui %sign3A_280 : vector<8x1600xi1> to vector<8x1600xi32>
    %sign3A_282 = arith.subi %sign3A_277, %sign3A_281 : vector<8x1600xi32>
    %sign3A_283 = arith.constant 0 : i32
    %sign3A_284 = arith.cmpi sgt, %jit3A_272, %sign3A_283 : i32
    %sign3A_285 = arith.extui %sign3A_284 : i1 to i32
    %sign3A_286 = arith.constant 0 : i32
    %sign3A_287 = arith.cmpi slt, %jit3A_272, %sign3A_286 : i32
    %sign3A_288 = arith.extui %sign3A_287 : i1 to i32
    %sign3A_289 = arith.subi %sign3A_285, %sign3A_288 : i32
    %ne3A_290 = vector.broadcast %sign3A_289 : i32 to vector<8x1600xi32>
    %ne3A_291 = arith.cmpi ne, %sign3A_282, %ne3A_290 : vector<8x1600xi32>
    %rem3A = vector.broadcast %jit3A_272 : i32 to vector<8x1600xi32>
    %rem3A_292 = arith.remsi %iota3A, %rem3A : vector<8x1600xi32>
    %ne3A_293 = arith.constant 0 : i32
    %ne3A_294 = vector.broadcast %ne3A_293 : i32 to vector<8x1600xi32>
    %ne3A_295 = arith.cmpi ne, %rem3A_292, %ne3A_294 : vector<8x1600xi32>
    %and3A = arith.andi %ne3A_291, %ne3A_295 : vector<8x1600xi1>
    %sub3A_296 = arith.constant 1 : i32
    %sub3A_297 = vector.broadcast %sub3A_296 : i32 to vector<8x1600xi32>
    %sub3A_298 = arith.subi %div3A_274, %sub3A_297 : vector<8x1600xi32>
    %select_n3A_299 = arith.select %and3A, %sub3A_298, %div3A_274 : vector<8x1600xi1>, vector<8x1600xi32>
    %eq3A = arith.cmpi eq, %select_n3A_299, %iota3A_271 : vector<8x1600xi32>
    %convert_element_type3A = arith.extui %eq3A : vector<8x1600xi1> to vector<8x1600xi32>
    %convert_element_type3A_300 = arith.sitofp %convert_element_type3A : vector<8x1600xi32> to vector<8x1600xf32>
    %slice3A = vector.extract_strided_slice %add3A_245 {offsets = [0, 0], sizes = [200, 5], strides = [1, 1]} : vector<200x320xf32> to vector<200x5xf32>
    %slice3A_301 = vector.extract_strided_slice %add3A_245 {offsets = [0, 5], sizes = [200, 5], strides = [1, 1]} : vector<200x320xf32> to vector<200x5xf32>
    %slice3A_302 = vector.extract_strided_slice %add3A_245 {offsets = [0, 10], sizes = [200, 5], strides = [1, 1]} : vector<200x320xf32> to vector<200x5xf32>
    %slice3A_303 = vector.extract_strided_slice %add3A_245 {offsets = [0, 15], sizes = [200, 5], strides = [1, 1]} : vector<200x320xf32> to vector<200x5xf32>
    %slice3A_304 = vector.extract_strided_slice %add3A_245 {offsets = [0, 20], sizes = [200, 5], strides = [1, 1]} : vector<200x320xf32> to vector<200x5xf32>
    %slice3A_305 = vector.extract_strided_slice %add3A_245 {offsets = [0, 25], sizes = [200, 5], strides = [1, 1]} : vector<200x320xf32> to vector<200x5xf32>
    %slice3A_306 = vector.extract_strided_slice %add3A_245 {offsets = [0, 30], sizes = [200, 5], strides = [1, 1]} : vector<200x320xf32> to vector<200x5xf32>
    %slice3A_307 = vector.extract_strided_slice %add3A_245 {offsets = [0, 35], sizes = [200, 5], strides = [1, 1]} : vector<200x320xf32> to vector<200x5xf32>
    %concatenate3A = tpu.concatenate %slice3A, %slice3A_301, %slice3A_302, %slice3A_303, %slice3A_304, %slice3A_305, %slice3A_306, %slice3A_307 in 0 : vector<200x5xf32>, vector<200x5xf32>, vector<200x5xf32>, vector<200x5xf32>, vector<200x5xf32>, vector<200x5xf32>, vector<200x5xf32>, vector<200x5xf32> -> vector<1600x5xf32>
    %slice3A_308 = vector.extract_strided_slice %add3A_255 {offsets = [0, 0], sizes = [200, 5], strides = [1, 1]} : vector<200x320xf32> to vector<200x5xf32>
    %slice3A_309 = vector.extract_strided_slice %add3A_255 {offsets = [0, 5], sizes = [200, 5], strides = [1, 1]} : vector<200x320xf32> to vector<200x5xf32>
    %slice3A_310 = vector.extract_strided_slice %add3A_255 {offsets = [0, 10], sizes = [200, 5], strides = [1, 1]} : vector<200x320xf32> to vector<200x5xf32>
    %slice3A_311 = vector.extract_strided_slice %add3A_255 {offsets = [0, 15], sizes = [200, 5], strides = [1, 1]} : vector<200x320xf32> to vector<200x5xf32>
    %slice3A_312 = vector.extract_strided_slice %add3A_255 {offsets = [0, 20], sizes = [200, 5], strides = [1, 1]} : vector<200x320xf32> to vector<200x5xf32>
    %slice3A_313 = vector.extract_strided_slice %add3A_255 {offsets = [0, 25], sizes = [200, 5], strides = [1, 1]} : vector<200x320xf32> to vector<200x5xf32>
    %slice3A_314 = vector.extract_strided_slice %add3A_255 {offsets = [0, 30], sizes = [200, 5], strides = [1, 1]} : vector<200x320xf32> to vector<200x5xf32>
    %slice3A_315 = vector.extract_strided_slice %add3A_255 {offsets = [0, 35], sizes = [200, 5], strides = [1, 1]} : vector<200x320xf32> to vector<200x5xf32>
    %concatenate3A_316 = tpu.concatenate %slice3A_308, %slice3A_309, %slice3A_310, %slice3A_311, %slice3A_312, %slice3A_313, %slice3A_314, %slice3A_315 in 0 : vector<200x5xf32>, vector<200x5xf32>, vector<200x5xf32>, vector<200x5xf32>, vector<200x5xf32>, vector<200x5xf32>, vector<200x5xf32>, vector<200x5xf32> -> vector<1600x5xf32>
    %dot_general3A_317 = arith.constant dense<0.000000e+00> : vector<1600x128xf32>
    %dot_general3A_318 = tpu.matmul %concatenate3A, %get3A_258, %dot_general3A_317 {dimension_numbers = #tpu.dot_dimension_numbers<[1], [0], [0], [1], [0, 0, 1, 1], [], []>, transpose_lhs_hint = false} : vector<1600x5xf32>, vector<5x128xf32>, vector<1600x128xf32> -> vector<1600x128xf32>
    %add3A_319 = vector.broadcast %get3A_261 : vector<1x128xf32> to vector<1600x128xf32>
    %add3A_320 = arith.addf %dot_general3A_318, %add3A_319 : vector<1600x128xf32>
    %max3A_321 = arith.constant 0.000000e+00 : f32
    %max3A_322 = vector.broadcast %max3A_321 : f32 to vector<1600x128xf32>
    %max3A_323 = arith.maximumf %add3A_320, %max3A_322 : vector<1600x128xf32>
    %dot_general3A_324 = arith.constant dense<0.000000e+00> : vector<1600x128xf32>
    %dot_general3A_325 = tpu.matmul %concatenate3A_316, %get3A_258, %dot_general3A_324 {dimension_numbers = #tpu.dot_dimension_numbers<[1], [0], [0], [1], [0, 0, 1, 1], [], []>, transpose_lhs_hint = false} : vector<1600x5xf32>, vector<5x128xf32>, vector<1600x128xf32> -> vector<1600x128xf32>
    %add3A_326 = vector.broadcast %get3A_261 : vector<1x128xf32> to vector<1600x128xf32>
    %add3A_327 = arith.addf %dot_general3A_325, %add3A_326 : vector<1600x128xf32>
    %add3A_328 = arith.addf %max3A_323, %add3A_327 : vector<1600x128xf32>
    %max3A_329 = arith.constant 0.000000e+00 : f32
    %max3A_330 = vector.broadcast %max3A_329 : f32 to vector<1600x128xf32>
    %max3A_331 = arith.maximumf %add3A_328, %max3A_330 : vector<1600x128xf32>
    %dot_general3A_332 = arith.constant dense<0.000000e+00> : vector<8x128xf32>
    %dot_general3A_333 = tpu.matmul %convert_element_type3A_300, %max3A_331, %dot_general3A_332 {dimension_numbers = #tpu.dot_dimension_numbers<[1], [0], [0], [1], [0, 0, 1, 1], [], []>, transpose_lhs_hint = false} : vector<8x1600xf32>, vector<1600x128xf32>, vector<8x128xf32> -> vector<8x128xf32>
    %slice3A_334 = vector.extract_strided_slice %get3A_270 {offsets = [0, 0], sizes = [8, 128], strides = [1, 1]} : vector<64x128xf32> to vector<8x128xf32>
    %mul3A_335 = arith.mulf %dot_general3A_333, %slice3A_334 : vector<8x128xf32>
    %mul3A_336 = arith.constant 2.000000e+00 : f32
    %mul3A_337 = vector.broadcast %mul3A_336 : f32 to vector<8x128xf32>
    %mul3A_338 = arith.mulf %mul3A_335, %mul3A_337 : vector<8x128xf32>
    %dot_general3A_339 = arith.constant dense<0.000000e+00> : vector<8x3xf32>
    %dot_general3A_340 = tpu.matmul %mul3A_338, %get3A_264, %dot_general3A_339 {dimension_numbers = #tpu.dot_dimension_numbers<[1], [0], [0], [1], [0, 0, 1, 1], [], []>, transpose_lhs_hint = false} : vector<8x128xf32>, vector<128x3xf32>, vector<8x3xf32> -> vector<8x3xf32>
    %add3A_341 = vector.broadcast %get3A_267 : vector<1x3xf32> to vector<8x3xf32>
    %add3A_342 = arith.addf %dot_general3A_340, %add3A_341 : vector<8x3xf32>
    %swap3A = arith.constant 0 : index
    %swap3A_343 = arith.constant 0 : index
    %swap3A_344 = vector.load %arg16[%swap3A, %swap3A_343] : memref<64x3xf32, #tpu.memory_space<vmem>>, vector<8x3xf32>
    tpu.vector_store %arg16[%swap3A, %swap3A_343], %add3A_342 {strides = array<i32>} : memref<64x3xf32, #tpu.memory_space<vmem>>, vector<8x3xf32>,
    %slice3A_345 = vector.extract_strided_slice %add3A_245 {offsets = [0, 40], sizes = [200, 5], strides = [1, 1]} : vector<200x320xf32> to vector<200x5xf32>
    %slice3A_346 = vector.extract_strided_slice %add3A_245 {offsets = [0, 45], sizes = [200, 5], strides = [1, 1]} : vector<200x320xf32> to vector<200x5xf32>
    %slice3A_347 = vector.extract_strided_slice %add3A_245 {offsets = [0, 50], sizes = [200, 5], strides = [1, 1]} : vector<200x320xf32> to vector<200x5xf32>
    %slice3A_348 = vector.extract_strided_slice %add3A_245 {offsets = [0, 55], sizes = [200, 5], strides = [1, 1]} : vector<200x320xf32> to vector<200x5xf32>
    %slice3A_349 = vector.extract_strided_slice %add3A_245 {offsets = [0, 60], sizes = [200, 5], strides = [1, 1]} : vector<200x320xf32> to vector<200x5xf32>
    %slice3A_350 = vector.extract_strided_slice %add3A_245 {offsets = [0, 65], sizes = [200, 5], strides = [1, 1]} : vector<200x320xf32> to vector<200x5xf32>
    %slice3A_351 = vector.extract_strided_slice %add3A_245 {offsets = [0, 70], sizes = [200, 5], strides = [1, 1]} : vector<200x320xf32> to vector<200x5xf32>
    %slice3A_352 = vector.extract_strided_slice %add3A_245 {offsets = [0, 75], sizes = [200, 5], strides = [1, 1]} : vector<200x320xf32> to vector<200x5xf32>
    %concatenate3A_353 = tpu.concatenate %slice3A_345, %slice3A_346, %slice3A_347, %slice3A_348, %slice3A_349, %slice3A_350, %slice3A_351, %slice3A_352 in 0 : vector<200x5xf32>, vector<200x5xf32>, vector<200x5xf32>, vector<200x5xf32>, vector<200x5xf32>, vector<200x5xf32>, vector<200x5xf32>, vector<200x5xf32> -> vector<1600x5xf32>
    %slice3A_354 = vector.extract_strided_slice %add3A_255 {offsets = [0, 40], sizes = [200, 5], strides = [1, 1]} : vector<200x320xf32> to vector<200x5xf32>
    %slice3A_355 = vector.extract_strided_slice %add3A_255 {offsets = [0, 45], sizes = [200, 5], strides = [1, 1]} : vector<200x320xf32> to vector<200x5xf32>
    %slice3A_356 = vector.extract_strided_slice %add3A_255 {offsets = [0, 50], sizes = [200, 5], strides = [1, 1]} : vector<200x320xf32> to vector<200x5xf32>
    %slice3A_357 = vector.extract_strided_slice %add3A_255 {offsets = [0, 55], sizes = [200, 5], strides = [1, 1]} : vector<200x320xf32> to vector<200x5xf32>
    %slice3A_358 = vector.extract_strided_slice %add3A_255 {offsets = [0, 60], sizes = [200, 5], strides = [1, 1]} : vector<200x320xf32> to vector<200x5xf32>
    %slice3A_359 = vector.extract_strided_slice %add3A_255 {offsets = [0, 65], sizes = [200, 5], strides = [1, 1]} : vector<200x320xf32> to vector<200x5xf32>
    %slice3A_360 = vector.extract_strided_slice %add3A_255 {offsets = [0, 70], sizes = [200, 5], strides = [1, 1]} : vector<200x320xf32> to vector<200x5xf32>
    %slice3A_361 = vector.extract_strided_slice %add3A_255 {offsets = [0, 75], sizes = [200, 5], strides = [1, 1]} : vector<200x320xf32> to vector<200x5xf32>
    %concatenate3A_362 = tpu.concatenate %slice3A_354, %slice3A_355, %slice3A_356, %slice3A_357, %slice3A_358, %slice3A_359, %slice3A_360, %slice3A_361 in 0 : vector<200x5xf32>, vector<200x5xf32>, vector<200x5xf32>, vector<200x5xf32>, vector<200x5xf32>, vector<200x5xf32>, vector<200x5xf32>, vector<200x5xf32> -> vector<1600x5xf32>
    %dot_general3A_363 = arith.constant dense<0.000000e+00> : vector<1600x128xf32>
    %dot_general3A_364 = tpu.matmul %concatenate3A_353, %get3A_258, %dot_general3A_363 {dimension_numbers = #tpu.dot_dimension_numbers<[1], [0], [0], [1], [0, 0, 1, 1], [], []>, transpose_lhs_hint = false} : vector<1600x5xf32>, vector<5x128xf32>, vector<1600x128xf32> -> vector<1600x128xf32>
    %add3A_365 = vector.broadcast %get3A_261 : vector<1x128xf32> to vector<1600x128xf32>
    %add3A_366 = arith.addf %dot_general3A_364, %add3A_365 : vector<1600x128xf32>
    %max3A_367 = arith.constant 0.000000e+00 : f32
    %max3A_368 = vector.broadcast %max3A_367 : f32 to vector<1600x128xf32>
    %max3A_369 = arith.maximumf %add3A_366, %max3A_368 : vector<1600x128xf32>
    %dot_general3A_370 = arith.constant dense<0.000000e+00> : vector<1600x128xf32>
    %dot_general3A_371 = tpu.matmul %concatenate3A_362, %get3A_258, %dot_general3A_370 {dimension_numbers = #tpu.dot_dimension_numbers<[1], [0], [0], [1], [0, 0, 1, 1], [], []>, transpose_lhs_hint = false} : vector<1600x5xf32>, vector<5x128xf32>, vector<1600x128xf32> -> vector<1600x128xf32>
    %add3A_372 = vector.broadcast %get3A_261 : vector<1x128xf32> to vector<1600x128xf32>
    %add3A_373 = arith.addf %dot_general3A_371, %add3A_372 : vector<1600x128xf32>
    %add3A_374 = arith.addf %max3A_369, %add3A_373 : vector<1600x128xf32>
    %max3A_375 = arith.constant 0.000000e+00 : f32
    %max3A_376 = vector.broadcast %max3A_375 : f32 to vector<1600x128xf32>
    %max3A_377 = arith.maximumf %add3A_374, %max3A_376 : vector<1600x128xf32>
    %dot_general3A_378 = arith.constant dense<0.000000e+00> : vector<8x128xf32>
    %dot_general3A_379 = tpu.matmul %convert_element_type3A_300, %max3A_377, %dot_general3A_378 {dimension_numbers = #tpu.dot_dimension_numbers<[1], [0], [0], [1], [0, 0, 1, 1], [], []>, transpose_lhs_hint = false} : vector<8x1600xf32>, vector<1600x128xf32>, vector<8x128xf32> -> vector<8x128xf32>
    %slice3A_380 = vector.extract_strided_slice %get3A_270 {offsets = [8, 0], sizes = [8, 128], strides = [1, 1]} : vector<64x128xf32> to vector<8x128xf32>
    %mul3A_381 = arith.mulf %dot_general3A_379, %slice3A_380 : vector<8x128xf32>
    %mul3A_382 = arith.constant 2.000000e+00 : f32
    %mul3A_383 = vector.broadcast %mul3A_382 : f32 to vector<8x128xf32>
    %mul3A_384 = arith.mulf %mul3A_381, %mul3A_383 : vector<8x128xf32>
    %dot_general3A_385 = arith.constant dense<0.000000e+00> : vector<8x3xf32>
    %dot_general3A_386 = tpu.matmul %mul3A_384, %get3A_264, %dot_general3A_385 {dimension_numbers = #tpu.dot_dimension_numbers<[1], [0], [0], [1], [0, 0, 1, 1], [], []>, transpose_lhs_hint = false} : vector<8x128xf32>, vector<128x3xf32>, vector<8x3xf32> -> vector<8x3xf32>
    %add3A_387 = vector.broadcast %get3A_267 : vector<1x3xf32> to vector<8x3xf32>
    %add3A_388 = arith.addf %dot_general3A_386, %add3A_387 : vector<8x3xf32>
    %swap3A_389 = arith.constant 8 : index
    %swap3A_390 = arith.constant 0 : index
    %swap3A_391 = vector.load %arg16[%swap3A_389, %swap3A_390] : memref<64x3xf32, #tpu.memory_space<vmem>>, vector<8x3xf32>
    tpu.vector_store %arg16[%swap3A_389, %swap3A_390], %add3A_388 {strides = array<i32>} : memref<64x3xf32, #tpu.memory_space<vmem>>, vector<8x3xf32>,
    %slice3A_392 = vector.extract_strided_slice %add3A_245 {offsets = [0, 80], sizes = [200, 5], strides = [1, 1]} : vector<200x320xf32> to vector<200x5xf32>
    %slice3A_393 = vector.extract_strided_slice %add3A_245 {offsets = [0, 85], sizes = [200, 5], strides = [1, 1]} : vector<200x320xf32> to vector<200x5xf32>
    %slice3A_394 = vector.extract_strided_slice %add3A_245 {offsets = [0, 90], sizes = [200, 5], strides = [1, 1]} : vector<200x320xf32> to vector<200x5xf32>
    %slice3A_395 = vector.extract_strided_slice %add3A_245 {offsets = [0, 95], sizes = [200, 5], strides = [1, 1]} : vector<200x320xf32> to vector<200x5xf32>
    %slice3A_396 = vector.extract_strided_slice %add3A_245 {offsets = [0, 100], sizes = [200, 5], strides = [1, 1]} : vector<200x320xf32> to vector<200x5xf32>
    %slice3A_397 = vector.extract_strided_slice %add3A_245 {offsets = [0, 105], sizes = [200, 5], strides = [1, 1]} : vector<200x320xf32> to vector<200x5xf32>
    %slice3A_398 = vector.extract_strided_slice %add3A_245 {offsets = [0, 110], sizes = [200, 5], strides = [1, 1]} : vector<200x320xf32> to vector<200x5xf32>
    %slice3A_399 = vector.extract_strided_slice %add3A_245 {offsets = [0, 115], sizes = [200, 5], strides = [1, 1]} : vector<200x320xf32> to vector<200x5xf32>
    %concatenate3A_400 = tpu.concatenate %slice3A_392, %slice3A_393, %slice3A_394, %slice3A_395, %slice3A_396, %slice3A_397, %slice3A_398, %slice3A_399 in 0 : vector<200x5xf32>, vector<200x5xf32>, vector<200x5xf32>, vector<200x5xf32>, vector<200x5xf32>, vector<200x5xf32>, vector<200x5xf32>, vector<200x5xf32> -> vector<1600x5xf32>
    %slice3A_401 = vector.extract_strided_slice %add3A_255 {offsets = [0, 80], sizes = [200, 5], strides = [1, 1]} : vector<200x320xf32> to vector<200x5xf32>
    %slice3A_402 = vector.extract_strided_slice %add3A_255 {offsets = [0, 85], sizes = [200, 5], strides = [1, 1]} : vector<200x320xf32> to vector<200x5xf32>
    %slice3A_403 = vector.extract_strided_slice %add3A_255 {offsets = [0, 90], sizes = [200, 5], strides = [1, 1]} : vector<200x320xf32> to vector<200x5xf32>
    %slice3A_404 = vector.extract_strided_slice %add3A_255 {offsets = [0, 95], sizes = [200, 5], strides = [1, 1]} : vector<200x320xf32> to vector<200x5xf32>
    %slice3A_405 = vector.extract_strided_slice %add3A_255 {offsets = [0, 100], sizes = [200, 5], strides = [1, 1]} : vector<200x320xf32> to vector<200x5xf32>
    %slice3A_406 = vector.extract_strided_slice %add3A_255 {offsets = [0, 105], sizes = [200, 5], strides = [1, 1]} : vector<200x320xf32> to vector<200x5xf32>
    %slice3A_407 = vector.extract_strided_slice %add3A_255 {offsets = [0, 110], sizes = [200, 5], strides = [1, 1]} : vector<200x320xf32> to vector<200x5xf32>
    %slice3A_408 = vector.extract_strided_slice %add3A_255 {offsets = [0, 115], sizes = [200, 5], strides = [1, 1]} : vector<200x320xf32> to vector<200x5xf32>
    %concatenate3A_409 = tpu.concatenate %slice3A_401, %slice3A_402, %slice3A_403, %slice3A_404, %slice3A_405, %slice3A_406, %slice3A_407, %slice3A_408 in 0 : vector<200x5xf32>, vector<200x5xf32>, vector<200x5xf32>, vector<200x5xf32>, vector<200x5xf32>, vector<200x5xf32>, vector<200x5xf32>, vector<200x5xf32> -> vector<1600x5xf32>
    %dot_general3A_410 = arith.constant dense<0.000000e+00> : vector<1600x128xf32>
    %dot_general3A_411 = tpu.matmul %concatenate3A_400, %get3A_258, %dot_general3A_410 {dimension_numbers = #tpu.dot_dimension_numbers<[1], [0], [0], [1], [0, 0, 1, 1], [], []>, transpose_lhs_hint = false} : vector<1600x5xf32>, vector<5x128xf32>, vector<1600x128xf32> -> vector<1600x128xf32>
    %add3A_412 = vector.broadcast %get3A_261 : vector<1x128xf32> to vector<1600x128xf32>
    %add3A_413 = arith.addf %dot_general3A_411, %add3A_412 : vector<1600x128xf32>
    %max3A_414 = arith.constant 0.000000e+00 : f32
    %max3A_415 = vector.broadcast %max3A_414 : f32 to vector<1600x128xf32>
    %max3A_416 = arith.maximumf %add3A_413, %max3A_415 : vector<1600x128xf32>
    %dot_general3A_417 = arith.constant dense<0.000000e+00> : vector<1600x128xf32>
    %dot_general3A_418 = tpu.matmul %concatenate3A_409, %get3A_258, %dot_general3A_417 {dimension_numbers = #tpu.dot_dimension_numbers<[1], [0], [0], [1], [0, 0, 1, 1], [], []>, transpose_lhs_hint = false} : vector<1600x5xf32>, vector<5x128xf32>, vector<1600x128xf32> -> vector<1600x128xf32>
    %add3A_419 = vector.broadcast %get3A_261 : vector<1x128xf32> to vector<1600x128xf32>
    %add3A_420 = arith.addf %dot_general3A_418, %add3A_419 : vector<1600x128xf32>
    %add3A_421 = arith.addf %max3A_416, %add3A_420 : vector<1600x128xf32>
    %max3A_422 = arith.constant 0.000000e+00 : f32
    %max3A_423 = vector.broadcast %max3A_422 : f32 to vector<1600x128xf32>
    %max3A_424 = arith.maximumf %add3A_421, %max3A_423 : vector<1600x128xf32>
    %dot_general3A_425 = arith.constant dense<0.000000e+00> : vector<8x128xf32>
    %dot_general3A_426 = tpu.matmul %convert_element_type3A_300, %max3A_424, %dot_general3A_425 {dimension_numbers = #tpu.dot_dimension_numbers<[1], [0], [0], [1], [0, 0, 1, 1], [], []>, transpose_lhs_hint = false} : vector<8x1600xf32>, vector<1600x128xf32>, vector<8x128xf32> -> vector<8x128xf32>
    %slice3A_427 = vector.extract_strided_slice %get3A_270 {offsets = [16, 0], sizes = [8, 128], strides = [1, 1]} : vector<64x128xf32> to vector<8x128xf32>
    %mul3A_428 = arith.mulf %dot_general3A_426, %slice3A_427 : vector<8x128xf32>
    %mul3A_429 = arith.constant 2.000000e+00 : f32
    %mul3A_430 = vector.broadcast %mul3A_429 : f32 to vector<8x128xf32>
    %mul3A_431 = arith.mulf %mul3A_428, %mul3A_430 : vector<8x128xf32>
    %dot_general3A_432 = arith.constant dense<0.000000e+00> : vector<8x3xf32>
    %dot_general3A_433 = tpu.matmul %mul3A_431, %get3A_264, %dot_general3A_432 {dimension_numbers = #tpu.dot_dimension_numbers<[1], [0], [0], [1], [0, 0, 1, 1], [], []>, transpose_lhs_hint = false} : vector<8x128xf32>, vector<128x3xf32>, vector<8x3xf32> -> vector<8x3xf32>
    %add3A_434 = vector.broadcast %get3A_267 : vector<1x3xf32> to vector<8x3xf32>
    %add3A_435 = arith.addf %dot_general3A_433, %add3A_434 : vector<8x3xf32>
    %swap3A_436 = arith.constant 16 : index
    %swap3A_437 = arith.constant 0 : index
    %swap3A_438 = vector.load %arg16[%swap3A_436, %swap3A_437] : memref<64x3xf32, #tpu.memory_space<vmem>>, vector<8x3xf32>
    tpu.vector_store %arg16[%swap3A_436, %swap3A_437], %add3A_435 {strides = array<i32>} : memref<64x3xf32, #tpu.memory_space<vmem>>, vector<8x3xf32>,
    %slice3A_439 = vector.extract_strided_slice %add3A_245 {offsets = [0, 120], sizes = [200, 5], strides = [1, 1]} : vector<200x320xf32> to vector<200x5xf32>
    %slice3A_440 = vector.extract_strided_slice %add3A_245 {offsets = [0, 125], sizes = [200, 5], strides = [1, 1]} : vector<200x320xf32> to vector<200x5xf32>
    %slice3A_441 = vector.extract_strided_slice %add3A_245 {offsets = [0, 130], sizes = [200, 5], strides = [1, 1]} : vector<200x320xf32> to vector<200x5xf32>
    %slice3A_442 = vector.extract_strided_slice %add3A_245 {offsets = [0, 135], sizes = [200, 5], strides = [1, 1]} : vector<200x320xf32> to vector<200x5xf32>
    %slice3A_443 = vector.extract_strided_slice %add3A_245 {offsets = [0, 140], sizes = [200, 5], strides = [1, 1]} : vector<200x320xf32> to vector<200x5xf32>
    %slice3A_444 = vector.extract_strided_slice %add3A_245 {offsets = [0, 145], sizes = [200, 5], strides = [1, 1]} : vector<200x320xf32> to vector<200x5xf32>
    %slice3A_445 = vector.extract_strided_slice %add3A_245 {offsets = [0, 150], sizes = [200, 5], strides = [1, 1]} : vector<200x320xf32> to vector<200x5xf32>
    %slice3A_446 = vector.extract_strided_slice %add3A_245 {offsets = [0, 155], sizes = [200, 5], strides = [1, 1]} : vector<200x320xf32> to vector<200x5xf32>
    %concatenate3A_447 = tpu.concatenate %slice3A_439, %slice3A_440, %slice3A_441, %slice3A_442, %slice3A_443, %slice3A_444, %slice3A_445, %slice3A_446 in 0 : vector<200x5xf32>, vector<200x5xf32>, vector<200x5xf32>, vector<200x5xf32>, vector<200x5xf32>, vector<200x5xf32>, vector<200x5xf32>, vector<200x5xf32> -> vector<1600x5xf32>
    %slice3A_448 = vector.extract_strided_slice %add3A_255 {offsets = [0, 120], sizes = [200, 5], strides = [1, 1]} : vector<200x320xf32> to vector<200x5xf32>
    %slice3A_449 = vector.extract_strided_slice %add3A_255 {offsets = [0, 125], sizes = [200, 5], strides = [1, 1]} : vector<200x320xf32> to vector<200x5xf32>
    %slice3A_450 = vector.extract_strided_slice %add3A_255 {offsets = [0, 130], sizes = [200, 5], strides = [1, 1]} : vector<200x320xf32> to vector<200x5xf32>
    %slice3A_451 = vector.extract_strided_slice %add3A_255 {offsets = [0, 135], sizes = [200, 5], strides = [1, 1]} : vector<200x320xf32> to vector<200x5xf32>
    %slice3A_452 = vector.extract_strided_slice %add3A_255 {offsets = [0, 140], sizes = [200, 5], strides = [1, 1]} : vector<200x320xf32> to vector<200x5xf32>
    %slice3A_453 = vector.extract_strided_slice %add3A_255 {offsets = [0, 145], sizes = [200, 5], strides = [1, 1]} : vector<200x320xf32> to vector<200x5xf32>
    %slice3A_454 = vector.extract_strided_slice %add3A_255 {offsets = [0, 150], sizes = [200, 5], strides = [1, 1]} : vector<200x320xf32> to vector<200x5xf32>
    %slice3A_455 = vector.extract_strided_slice %add3A_255 {offsets = [0, 155], sizes = [200, 5], strides = [1, 1]} : vector<200x320xf32> to vector<200x5xf32>
    %concatenate3A_456 = tpu.concatenate %slice3A_448, %slice3A_449, %slice3A_450, %slice3A_451, %slice3A_452, %slice3A_453, %slice3A_454, %slice3A_455 in 0 : vector<200x5xf32>, vector<200x5xf32>, vector<200x5xf32>, vector<200x5xf32>, vector<200x5xf32>, vector<200x5xf32>, vector<200x5xf32>, vector<200x5xf32> -> vector<1600x5xf32>
    %dot_general3A_457 = arith.constant dense<0.000000e+00> : vector<1600x128xf32>
    %dot_general3A_458 = tpu.matmul %concatenate3A_447, %get3A_258, %dot_general3A_457 {dimension_numbers = #tpu.dot_dimension_numbers<[1], [0], [0], [1], [0, 0, 1, 1], [], []>, transpose_lhs_hint = false} : vector<1600x5xf32>, vector<5x128xf32>, vector<1600x128xf32> -> vector<1600x128xf32>
    %add3A_459 = vector.broadcast %get3A_261 : vector<1x128xf32> to vector<1600x128xf32>
    %add3A_460 = arith.addf %dot_general3A_458, %add3A_459 : vector<1600x128xf32>
    %max3A_461 = arith.constant 0.000000e+00 : f32
    %max3A_462 = vector.broadcast %max3A_461 : f32 to vector<1600x128xf32>
    %max3A_463 = arith.maximumf %add3A_460, %max3A_462 : vector<1600x128xf32>
    %dot_general3A_464 = arith.constant dense<0.000000e+00> : vector<1600x128xf32>
    %dot_general3A_465 = tpu.matmul %concatenate3A_456, %get3A_258, %dot_general3A_464 {dimension_numbers = #tpu.dot_dimension_numbers<[1], [0], [0], [1], [0, 0, 1, 1], [], []>, transpose_lhs_hint = false} : vector<1600x5xf32>, vector<5x128xf32>, vector<1600x128xf32> -> vector<1600x128xf32>
    %add3A_466 = vector.broadcast %get3A_261 : vector<1x128xf32> to vector<1600x128xf32>
    %add3A_467 = arith.addf %dot_general3A_465, %add3A_466 : vector<1600x128xf32>
    %add3A_468 = arith.addf %max3A_463, %add3A_467 : vector<1600x128xf32>
    %max3A_469 = arith.constant 0.000000e+00 : f32
    %max3A_470 = vector.broadcast %max3A_469 : f32 to vector<1600x128xf32>
    %max3A_471 = arith.maximumf %add3A_468, %max3A_470 : vector<1600x128xf32>
    %dot_general3A_472 = arith.constant dense<0.000000e+00> : vector<8x128xf32>
    %dot_general3A_473 = tpu.matmul %convert_element_type3A_300, %max3A_471, %dot_general3A_472 {dimension_numbers = #tpu.dot_dimension_numbers<[1], [0], [0], [1], [0, 0, 1, 1], [], []>, transpose_lhs_hint = false} : vector<8x1600xf32>, vector<1600x128xf32>, vector<8x128xf32> -> vector<8x128xf32>
    %slice3A_474 = vector.extract_strided_slice %get3A_270 {offsets = [24, 0], sizes = [8, 128], strides = [1, 1]} : vector<64x128xf32> to vector<8x128xf32>
    %mul3A_475 = arith.mulf %dot_general3A_473, %slice3A_474 : vector<8x128xf32>
    %mul3A_476 = arith.constant 2.000000e+00 : f32
    %mul3A_477 = vector.broadcast %mul3A_476 : f32 to vector<8x128xf32>
    %mul3A_478 = arith.mulf %mul3A_475, %mul3A_477 : vector<8x128xf32>
    %dot_general3A_479 = arith.constant dense<0.000000e+00> : vector<8x3xf32>
    %dot_general3A_480 = tpu.matmul %mul3A_478, %get3A_264, %dot_general3A_479 {dimension_numbers = #tpu.dot_dimension_numbers<[1], [0], [0], [1], [0, 0, 1, 1], [], []>, transpose_lhs_hint = false} : vector<8x128xf32>, vector<128x3xf32>, vector<8x3xf32> -> vector<8x3xf32>
    %add3A_481 = vector.broadcast %get3A_267 : vector<1x3xf32> to vector<8x3xf32>
    %add3A_482 = arith.addf %dot_general3A_480, %add3A_481 : vector<8x3xf32>
    %swap3A_483 = arith.constant 24 : index
    %swap3A_484 = arith.constant 0 : index
    %swap3A_485 = vector.load %arg16[%swap3A_483, %swap3A_484] : memref<64x3xf32, #tpu.memory_space<vmem>>, vector<8x3xf32>
    tpu.vector_store %arg16[%swap3A_483, %swap3A_484], %add3A_482 {strides = array<i32>} : memref<64x3xf32, #tpu.memory_space<vmem>>, vector<8x3xf32>,
    %slice3A_486 = vector.extract_strided_slice %add3A_245 {offsets = [0, 160], sizes = [200, 5], strides = [1, 1]} : vector<200x320xf32> to vector<200x5xf32>
    %slice3A_487 = vector.extract_strided_slice %add3A_245 {offsets = [0, 165], sizes = [200, 5], strides = [1, 1]} : vector<200x320xf32> to vector<200x5xf32>
    %slice3A_488 = vector.extract_strided_slice %add3A_245 {offsets = [0, 170], sizes = [200, 5], strides = [1, 1]} : vector<200x320xf32> to vector<200x5xf32>
    %slice3A_489 = vector.extract_strided_slice %add3A_245 {offsets = [0, 175], sizes = [200, 5], strides = [1, 1]} : vector<200x320xf32> to vector<200x5xf32>
    %slice3A_490 = vector.extract_strided_slice %add3A_245 {offsets = [0, 180], sizes = [200, 5], strides = [1, 1]} : vector<200x320xf32> to vector<200x5xf32>
    %slice3A_491 = vector.extract_strided_slice %add3A_245 {offsets = [0, 185], sizes = [200, 5], strides = [1, 1]} : vector<200x320xf32> to vector<200x5xf32>
    %slice3A_492 = vector.extract_strided_slice %add3A_245 {offsets = [0, 190], sizes = [200, 5], strides = [1, 1]} : vector<200x320xf32> to vector<200x5xf32>
    %slice3A_493 = vector.extract_strided_slice %add3A_245 {offsets = [0, 195], sizes = [200, 5], strides = [1, 1]} : vector<200x320xf32> to vector<200x5xf32>
    %concatenate3A_494 = tpu.concatenate %slice3A_486, %slice3A_487, %slice3A_488, %slice3A_489, %slice3A_490, %slice3A_491, %slice3A_492, %slice3A_493 in 0 : vector<200x5xf32>, vector<200x5xf32>, vector<200x5xf32>, vector<200x5xf32>, vector<200x5xf32>, vector<200x5xf32>, vector<200x5xf32>, vector<200x5xf32> -> vector<1600x5xf32>
    %slice3A_495 = vector.extract_strided_slice %add3A_255 {offsets = [0, 160], sizes = [200, 5], strides = [1, 1]} : vector<200x320xf32> to vector<200x5xf32>
    %slice3A_496 = vector.extract_strided_slice %add3A_255 {offsets = [0, 165], sizes = [200, 5], strides = [1, 1]} : vector<200x320xf32> to vector<200x5xf32>
    %slice3A_497 = vector.extract_strided_slice %add3A_255 {offsets = [0, 170], sizes = [200, 5], strides = [1, 1]} : vector<200x320xf32> to vector<200x5xf32>
    %slice3A_498 = vector.extract_strided_slice %add3A_255 {offsets = [0, 175], sizes = [200, 5], strides = [1, 1]} : vector<200x320xf32> to vector<200x5xf32>
    %slice3A_499 = vector.extract_strided_slice %add3A_255 {offsets = [0, 180], sizes = [200, 5], strides = [1, 1]} : vector<200x320xf32> to vector<200x5xf32>
    %slice3A_500 = vector.extract_strided_slice %add3A_255 {offsets = [0, 185], sizes = [200, 5], strides = [1, 1]} : vector<200x320xf32> to vector<200x5xf32>
    %slice3A_501 = vector.extract_strided_slice %add3A_255 {offsets = [0, 190], sizes = [200, 5], strides = [1, 1]} : vector<200x320xf32> to vector<200x5xf32>
    %slice3A_502 = vector.extract_strided_slice %add3A_255 {offsets = [0, 195], sizes = [200, 5], strides = [1, 1]} : vector<200x320xf32> to vector<200x5xf32>
    %concatenate3A_503 = tpu.concatenate %slice3A_495, %slice3A_496, %slice3A_497, %slice3A_498, %slice3A_499, %slice3A_500, %slice3A_501, %slice3A_502 in 0 : vector<200x5xf32>, vector<200x5xf32>, vector<200x5xf32>, vector<200x5xf32>, vector<200x5xf32>, vector<200x5xf32>, vector<200x5xf32>, vector<200x5xf32> -> vector<1600x5xf32>
    %dot_general3A_504 = arith.constant dense<0.000000e+00> : vector<1600x128xf32>
    %dot_general3A_505 = tpu.matmul %concatenate3A_494, %get3A_258, %dot_general3A_504 {dimension_numbers = #tpu.dot_dimension_numbers<[1], [0], [0], [1], [0, 0, 1, 1], [], []>, transpose_lhs_hint = false} : vector<1600x5xf32>, vector<5x128xf32>, vector<1600x128xf32> -> vector<1600x128xf32>
    %add3A_506 = vector.broadcast %get3A_261 : vector<1x128xf32> to vector<1600x128xf32>
    %add3A_507 = arith.addf %dot_general3A_505, %add3A_506 : vector<1600x128xf32>
    %max3A_508 = arith.constant 0.000000e+00 : f32
    %max3A_509 = vector.broadcast %max3A_508 : f32 to vector<1600x128xf32>
    %max3A_510 = arith.maximumf %add3A_507, %max3A_509 : vector<1600x128xf32>
    %dot_general3A_511 = arith.constant dense<0.000000e+00> : vector<1600x128xf32>
    %dot_general3A_512 = tpu.matmul %concatenate3A_503, %get3A_258, %dot_general3A_511 {dimension_numbers = #tpu.dot_dimension_numbers<[1], [0], [0], [1], [0, 0, 1, 1], [], []>, transpose_lhs_hint = false} : vector<1600x5xf32>, vector<5x128xf32>, vector<1600x128xf32> -> vector<1600x128xf32>
    %add3A_513 = vector.broadcast %get3A_261 : vector<1x128xf32> to vector<1600x128xf32>
    %add3A_514 = arith.addf %dot_general3A_512, %add3A_513 : vector<1600x128xf32>
    %add3A_515 = arith.addf %max3A_510, %add3A_514 : vector<1600x128xf32>
    %max3A_516 = arith.constant 0.000000e+00 : f32
    %max3A_517 = vector.broadcast %max3A_516 : f32 to vector<1600x128xf32>
    %max3A_518 = arith.maximumf %add3A_515, %max3A_517 : vector<1600x128xf32>
    %dot_general3A_519 = arith.constant dense<0.000000e+00> : vector<8x128xf32>
    %dot_general3A_520 = tpu.matmul %convert_element_type3A_300, %max3A_518, %dot_general3A_519 {dimension_numbers = #tpu.dot_dimension_numbers<[1], [0], [0], [1], [0, 0, 1, 1], [], []>, transpose_lhs_hint = false} : vector<8x1600xf32>, vector<1600x128xf32>, vector<8x128xf32> -> vector<8x128xf32>
    %slice3A_521 = vector.extract_strided_slice %get3A_270 {offsets = [32, 0], sizes = [8, 128], strides = [1, 1]} : vector<64x128xf32> to vector<8x128xf32>
    %mul3A_522 = arith.mulf %dot_general3A_520, %slice3A_521 : vector<8x128xf32>
    %mul3A_523 = arith.constant 2.000000e+00 : f32
    %mul3A_524 = vector.broadcast %mul3A_523 : f32 to vector<8x128xf32>
    %mul3A_525 = arith.mulf %mul3A_522, %mul3A_524 : vector<8x128xf32>
    %dot_general3A_526 = arith.constant dense<0.000000e+00> : vector<8x3xf32>
    %dot_general3A_527 = tpu.matmul %mul3A_525, %get3A_264, %dot_general3A_526 {dimension_numbers = #tpu.dot_dimension_numbers<[1], [0], [0], [1], [0, 0, 1, 1], [], []>, transpose_lhs_hint = false} : vector<8x128xf32>, vector<128x3xf32>, vector<8x3xf32> -> vector<8x3xf32>
    %add3A_528 = vector.broadcast %get3A_267 : vector<1x3xf32> to vector<8x3xf32>
    %add3A_529 = arith.addf %dot_general3A_527, %add3A_528 : vector<8x3xf32>
    %swap3A_530 = arith.constant 32 : index
    %swap3A_531 = arith.constant 0 : index
    %swap3A_532 = vector.load %arg16[%swap3A_530, %swap3A_531] : memref<64x3xf32, #tpu.memory_space<vmem>>, vector<8x3xf32>
    tpu.vector_store %arg16[%swap3A_530, %swap3A_531], %add3A_529 {strides = array<i32>} : memref<64x3xf32, #tpu.memory_space<vmem>>, vector<8x3xf32>,
    %slice3A_533 = vector.extract_strided_slice %add3A_245 {offsets = [0, 200], sizes = [200, 5], strides = [1, 1]} : vector<200x320xf32> to vector<200x5xf32>
    %slice3A_534 = vector.extract_strided_slice %add3A_245 {offsets = [0, 205], sizes = [200, 5], strides = [1, 1]} : vector<200x320xf32> to vector<200x5xf32>
    %slice3A_535 = vector.extract_strided_slice %add3A_245 {offsets = [0, 210], sizes = [200, 5], strides = [1, 1]} : vector<200x320xf32> to vector<200x5xf32>
    %slice3A_536 = vector.extract_strided_slice %add3A_245 {offsets = [0, 215], sizes = [200, 5], strides = [1, 1]} : vector<200x320xf32> to vector<200x5xf32>
    %slice3A_537 = vector.extract_strided_slice %add3A_245 {offsets = [0, 220], sizes = [200, 5], strides = [1, 1]} : vector<200x320xf32> to vector<200x5xf32>
    %slice3A_538 = vector.extract_strided_slice %add3A_245 {offsets = [0, 225], sizes = [200, 5], strides = [1, 1]} : vector<200x320xf32> to vector<200x5xf32>
    %slice3A_539 = vector.extract_strided_slice %add3A_245 {offsets = [0, 230], sizes = [200, 5], strides = [1, 1]} : vector<200x320xf32> to vector<200x5xf32>
    %slice3A_540 = vector.extract_strided_slice %add3A_245 {offsets = [0, 235], sizes = [200, 5], strides = [1, 1]} : vector<200x320xf32> to vector<200x5xf32>
    %concatenate3A_541 = tpu.concatenate %slice3A_533, %slice3A_534, %slice3A_535, %slice3A_536, %slice3A_537, %slice3A_538, %slice3A_539, %slice3A_540 in 0 : vector<200x5xf32>, vector<200x5xf32>, vector<200x5xf32>, vector<200x5xf32>, vector<200x5xf32>, vector<200x5xf32>, vector<200x5xf32>, vector<200x5xf32> -> vector<1600x5xf32>
    %slice3A_542 = vector.extract_strided_slice %add3A_255 {offsets = [0, 200], sizes = [200, 5], strides = [1, 1]} : vector<200x320xf32> to vector<200x5xf32>
    %slice3A_543 = vector.extract_strided_slice %add3A_255 {offsets = [0, 205], sizes = [200, 5], strides = [1, 1]} : vector<200x320xf32> to vector<200x5xf32>
    %slice3A_544 = vector.extract_strided_slice %add3A_255 {offsets = [0, 210], sizes = [200, 5], strides = [1, 1]} : vector<200x320xf32> to vector<200x5xf32>
    %slice3A_545 = vector.extract_strided_slice %add3A_255 {offsets = [0, 215], sizes = [200, 5], strides = [1, 1]} : vector<200x320xf32> to vector<200x5xf32>
    %slice3A_546 = vector.extract_strided_slice %add3A_255 {offsets = [0, 220], sizes = [200, 5], strides = [1, 1]} : vector<200x320xf32> to vector<200x5xf32>
    %slice3A_547 = vector.extract_strided_slice %add3A_255 {offsets = [0, 225], sizes = [200, 5], strides = [1, 1]} : vector<200x320xf32> to vector<200x5xf32>
    %slice3A_548 = vector.extract_strided_slice %add3A_255 {offsets = [0, 230], sizes = [200, 5], strides = [1, 1]} : vector<200x320xf32> to vector<200x5xf32>
    %slice3A_549 = vector.extract_strided_slice %add3A_255 {offsets = [0, 235], sizes = [200, 5], strides = [1, 1]} : vector<200x320xf32> to vector<200x5xf32>
    %concatenate3A_550 = tpu.concatenate %slice3A_542, %slice3A_543, %slice3A_544, %slice3A_545, %slice3A_546, %slice3A_547, %slice3A_548, %slice3A_549 in 0 : vector<200x5xf32>, vector<200x5xf32>, vector<200x5xf32>, vector<200x5xf32>, vector<200x5xf32>, vector<200x5xf32>, vector<200x5xf32>, vector<200x5xf32> -> vector<1600x5xf32>
    %dot_general3A_551 = arith.constant dense<0.000000e+00> : vector<1600x128xf32>
    %dot_general3A_552 = tpu.matmul %concatenate3A_541, %get3A_258, %dot_general3A_551 {dimension_numbers = #tpu.dot_dimension_numbers<[1], [0], [0], [1], [0, 0, 1, 1], [], []>, transpose_lhs_hint = false} : vector<1600x5xf32>, vector<5x128xf32>, vector<1600x128xf32> -> vector<1600x128xf32>
    %add3A_553 = vector.broadcast %get3A_261 : vector<1x128xf32> to vector<1600x128xf32>
    %add3A_554 = arith.addf %dot_general3A_552, %add3A_553 : vector<1600x128xf32>
    %max3A_555 = arith.constant 0.000000e+00 : f32
    %max3A_556 = vector.broadcast %max3A_555 : f32 to vector<1600x128xf32>
    %max3A_557 = arith.maximumf %add3A_554, %max3A_556 : vector<1600x128xf32>
    %dot_general3A_558 = arith.constant dense<0.000000e+00> : vector<1600x128xf32>
    %dot_general3A_559 = tpu.matmul %concatenate3A_550, %get3A_258, %dot_general3A_558 {dimension_numbers = #tpu.dot_dimension_numbers<[1], [0], [0], [1], [0, 0, 1, 1], [], []>, transpose_lhs_hint = false} : vector<1600x5xf32>, vector<5x128xf32>, vector<1600x128xf32> -> vector<1600x128xf32>
    %add3A_560 = vector.broadcast %get3A_261 : vector<1x128xf32> to vector<1600x128xf32>
    %add3A_561 = arith.addf %dot_general3A_559, %add3A_560 : vector<1600x128xf32>
    %add3A_562 = arith.addf %max3A_557, %add3A_561 : vector<1600x128xf32>
    %max3A_563 = arith.constant 0.000000e+00 : f32
    %max3A_564 = vector.broadcast %max3A_563 : f32 to vector<1600x128xf32>
    %max3A_565 = arith.maximumf %add3A_562, %max3A_564 : vector<1600x128xf32>
    %dot_general3A_566 = arith.constant dense<0.000000e+00> : vector<8x128xf32>
    %dot_general3A_567 = tpu.matmul %convert_element_type3A_300, %max3A_565, %dot_general3A_566 {dimension_numbers = #tpu.dot_dimension_numbers<[1], [0], [0], [1], [0, 0, 1, 1], [], []>, transpose_lhs_hint = false} : vector<8x1600xf32>, vector<1600x128xf32>, vector<8x128xf32> -> vector<8x128xf32>
    %slice3A_568 = vector.extract_strided_slice %get3A_270 {offsets = [40, 0], sizes = [8, 128], strides = [1, 1]} : vector<64x128xf32> to vector<8x128xf32>
    %mul3A_569 = arith.mulf %dot_general3A_567, %slice3A_568 : vector<8x128xf32>
    %mul3A_570 = arith.constant 2.000000e+00 : f32
    %mul3A_571 = vector.broadcast %mul3A_570 : f32 to vector<8x128xf32>
    %mul3A_572 = arith.mulf %mul3A_569, %mul3A_571 : vector<8x128xf32>
    %dot_general3A_573 = arith.constant dense<0.000000e+00> : vector<8x3xf32>
    %dot_general3A_574 = tpu.matmul %mul3A_572, %get3A_264, %dot_general3A_573 {dimension_numbers = #tpu.dot_dimension_numbers<[1], [0], [0], [1], [0, 0, 1, 1], [], []>, transpose_lhs_hint = false} : vector<8x128xf32>, vector<128x3xf32>, vector<8x3xf32> -> vector<8x3xf32>
    %add3A_575 = vector.broadcast %get3A_267 : vector<1x3xf32> to vector<8x3xf32>
    %add3A_576 = arith.addf %dot_general3A_574, %add3A_575 : vector<8x3xf32>
    %swap3A_577 = arith.constant 40 : index
    %swap3A_578 = arith.constant 0 : index
    %swap3A_579 = vector.load %arg16[%swap3A_577, %swap3A_578] : memref<64x3xf32, #tpu.memory_space<vmem>>, vector<8x3xf32>
    tpu.vector_store %arg16[%swap3A_577, %swap3A_578], %add3A_576 {strides = array<i32>} : memref<64x3xf32, #tpu.memory_space<vmem>>, vector<8x3xf32>,
    %slice3A_580 = vector.extract_strided_slice %add3A_245 {offsets = [0, 240], sizes = [200, 5], strides = [1, 1]} : vector<200x320xf32> to vector<200x5xf32>
    %slice3A_581 = vector.extract_strided_slice %add3A_245 {offsets = [0, 245], sizes = [200, 5], strides = [1, 1]} : vector<200x320xf32> to vector<200x5xf32>
    %slice3A_582 = vector.extract_strided_slice %add3A_245 {offsets = [0, 250], sizes = [200, 5], strides = [1, 1]} : vector<200x320xf32> to vector<200x5xf32>
    %slice3A_583 = vector.extract_strided_slice %add3A_245 {offsets = [0, 255], sizes = [200, 5], strides = [1, 1]} : vector<200x320xf32> to vector<200x5xf32>
    %slice3A_584 = vector.extract_strided_slice %add3A_245 {offsets = [0, 260], sizes = [200, 5], strides = [1, 1]} : vector<200x320xf32> to vector<200x5xf32>
    %slice3A_585 = vector.extract_strided_slice %add3A_245 {offsets = [0, 265], sizes = [200, 5], strides = [1, 1]} : vector<200x320xf32> to vector<200x5xf32>
    %slice3A_586 = vector.extract_strided_slice %add3A_245 {offsets = [0, 270], sizes = [200, 5], strides = [1, 1]} : vector<200x320xf32> to vector<200x5xf32>
    %slice3A_587 = vector.extract_strided_slice %add3A_245 {offsets = [0, 275], sizes = [200, 5], strides = [1, 1]} : vector<200x320xf32> to vector<200x5xf32>
    %concatenate3A_588 = tpu.concatenate %slice3A_580, %slice3A_581, %slice3A_582, %slice3A_583, %slice3A_584, %slice3A_585, %slice3A_586, %slice3A_587 in 0 : vector<200x5xf32>, vector<200x5xf32>, vector<200x5xf32>, vector<200x5xf32>, vector<200x5xf32>, vector<200x5xf32>, vector<200x5xf32>, vector<200x5xf32> -> vector<1600x5xf32>
    %slice3A_589 = vector.extract_strided_slice %add3A_255 {offsets = [0, 240], sizes = [200, 5], strides = [1, 1]} : vector<200x320xf32> to vector<200x5xf32>
    %slice3A_590 = vector.extract_strided_slice %add3A_255 {offsets = [0, 245], sizes = [200, 5], strides = [1, 1]} : vector<200x320xf32> to vector<200x5xf32>
    %slice3A_591 = vector.extract_strided_slice %add3A_255 {offsets = [0, 250], sizes = [200, 5], strides = [1, 1]} : vector<200x320xf32> to vector<200x5xf32>
    %slice3A_592 = vector.extract_strided_slice %add3A_255 {offsets = [0, 255], sizes = [200, 5], strides = [1, 1]} : vector<200x320xf32> to vector<200x5xf32>
    %slice3A_593 = vector.extract_strided_slice %add3A_255 {offsets = [0, 260], sizes = [200, 5], strides = [1, 1]} : vector<200x320xf32> to vector<200x5xf32>
    %slice3A_594 = vector.extract_strided_slice %add3A_255 {offsets = [0, 265], sizes = [200, 5], strides = [1, 1]} : vector<200x320xf32> to vector<200x5xf32>
    %slice3A_595 = vector.extract_strided_slice %add3A_255 {offsets = [0, 270], sizes = [200, 5], strides = [1, 1]} : vector<200x320xf32> to vector<200x5xf32>
    %slice3A_596 = vector.extract_strided_slice %add3A_255 {offsets = [0, 275], sizes = [200, 5], strides = [1, 1]} : vector<200x320xf32> to vector<200x5xf32>
    %concatenate3A_597 = tpu.concatenate %slice3A_589, %slice3A_590, %slice3A_591, %slice3A_592, %slice3A_593, %slice3A_594, %slice3A_595, %slice3A_596 in 0 : vector<200x5xf32>, vector<200x5xf32>, vector<200x5xf32>, vector<200x5xf32>, vector<200x5xf32>, vector<200x5xf32>, vector<200x5xf32>, vector<200x5xf32> -> vector<1600x5xf32>
    %dot_general3A_598 = arith.constant dense<0.000000e+00> : vector<1600x128xf32>
    %dot_general3A_599 = tpu.matmul %concatenate3A_588, %get3A_258, %dot_general3A_598 {dimension_numbers = #tpu.dot_dimension_numbers<[1], [0], [0], [1], [0, 0, 1, 1], [], []>, transpose_lhs_hint = false} : vector<1600x5xf32>, vector<5x128xf32>, vector<1600x128xf32> -> vector<1600x128xf32>
    %add3A_600 = vector.broadcast %get3A_261 : vector<1x128xf32> to vector<1600x128xf32>
    %add3A_601 = arith.addf %dot_general3A_599, %add3A_600 : vector<1600x128xf32>
    %max3A_602 = arith.constant 0.000000e+00 : f32
    %max3A_603 = vector.broadcast %max3A_602 : f32 to vector<1600x128xf32>
    %max3A_604 = arith.maximumf %add3A_601, %max3A_603 : vector<1600x128xf32>
    %dot_general3A_605 = arith.constant dense<0.000000e+00> : vector<1600x128xf32>
    %dot_general3A_606 = tpu.matmul %concatenate3A_597, %get3A_258, %dot_general3A_605 {dimension_numbers = #tpu.dot_dimension_numbers<[1], [0], [0], [1], [0, 0, 1, 1], [], []>, transpose_lhs_hint = false} : vector<1600x5xf32>, vector<5x128xf32>, vector<1600x128xf32> -> vector<1600x128xf32>
    %add3A_607 = vector.broadcast %get3A_261 : vector<1x128xf32> to vector<1600x128xf32>
    %add3A_608 = arith.addf %dot_general3A_606, %add3A_607 : vector<1600x128xf32>
    %add3A_609 = arith.addf %max3A_604, %add3A_608 : vector<1600x128xf32>
    %max3A_610 = arith.constant 0.000000e+00 : f32
    %max3A_611 = vector.broadcast %max3A_610 : f32 to vector<1600x128xf32>
    %max3A_612 = arith.maximumf %add3A_609, %max3A_611 : vector<1600x128xf32>
    %dot_general3A_613 = arith.constant dense<0.000000e+00> : vector<8x128xf32>
    %dot_general3A_614 = tpu.matmul %convert_element_type3A_300, %max3A_612, %dot_general3A_613 {dimension_numbers = #tpu.dot_dimension_numbers<[1], [0], [0], [1], [0, 0, 1, 1], [], []>, transpose_lhs_hint = false} : vector<8x1600xf32>, vector<1600x128xf32>, vector<8x128xf32> -> vector<8x128xf32>
    %slice3A_615 = vector.extract_strided_slice %get3A_270 {offsets = [48, 0], sizes = [8, 128], strides = [1, 1]} : vector<64x128xf32> to vector<8x128xf32>
    %mul3A_616 = arith.mulf %dot_general3A_614, %slice3A_615 : vector<8x128xf32>
    %mul3A_617 = arith.constant 2.000000e+00 : f32
    %mul3A_618 = vector.broadcast %mul3A_617 : f32 to vector<8x128xf32>
    %mul3A_619 = arith.mulf %mul3A_616, %mul3A_618 : vector<8x128xf32>
    %dot_general3A_620 = arith.constant dense<0.000000e+00> : vector<8x3xf32>
    %dot_general3A_621 = tpu.matmul %mul3A_619, %get3A_264, %dot_general3A_620 {dimension_numbers = #tpu.dot_dimension_numbers<[1], [0], [0], [1], [0, 0, 1, 1], [], []>, transpose_lhs_hint = false} : vector<8x128xf32>, vector<128x3xf32>, vector<8x3xf32> -> vector<8x3xf32>
    %add3A_622 = vector.broadcast %get3A_267 : vector<1x3xf32> to vector<8x3xf32>
    %add3A_623 = arith.addf %dot_general3A_621, %add3A_622 : vector<8x3xf32>
    %swap3A_624 = arith.constant 48 : index
    %swap3A_625 = arith.constant 0 : index
    %swap3A_626 = vector.load %arg16[%swap3A_624, %swap3A_625] : memref<64x3xf32, #tpu.memory_space<vmem>>, vector<8x3xf32>
    tpu.vector_store %arg16[%swap3A_624, %swap3A_625], %add3A_623 {strides = array<i32>} : memref<64x3xf32, #tpu.memory_space<vmem>>, vector<8x3xf32>,
    %slice3A_627 = vector.extract_strided_slice %add3A_245 {offsets = [0, 280], sizes = [200, 5], strides = [1, 1]} : vector<200x320xf32> to vector<200x5xf32>
    %slice3A_628 = vector.extract_strided_slice %add3A_245 {offsets = [0, 285], sizes = [200, 5], strides = [1, 1]} : vector<200x320xf32> to vector<200x5xf32>
    %slice3A_629 = vector.extract_strided_slice %add3A_245 {offsets = [0, 290], sizes = [200, 5], strides = [1, 1]} : vector<200x320xf32> to vector<200x5xf32>
    %slice3A_630 = vector.extract_strided_slice %add3A_245 {offsets = [0, 295], sizes = [200, 5], strides = [1, 1]} : vector<200x320xf32> to vector<200x5xf32>
    %slice3A_631 = vector.extract_strided_slice %add3A_245 {offsets = [0, 300], sizes = [200, 5], strides = [1, 1]} : vector<200x320xf32> to vector<200x5xf32>
    %slice3A_632 = vector.extract_strided_slice %add3A_245 {offsets = [0, 305], sizes = [200, 5], strides = [1, 1]} : vector<200x320xf32> to vector<200x5xf32>
    %slice3A_633 = vector.extract_strided_slice %add3A_245 {offsets = [0, 310], sizes = [200, 5], strides = [1, 1]} : vector<200x320xf32> to vector<200x5xf32>
    %slice3A_634 = vector.extract_strided_slice %add3A_245 {offsets = [0, 315], sizes = [200, 5], strides = [1, 1]} : vector<200x320xf32> to vector<200x5xf32>
    %concatenate3A_635 = tpu.concatenate %slice3A_627, %slice3A_628, %slice3A_629, %slice3A_630, %slice3A_631, %slice3A_632, %slice3A_633, %slice3A_634 in 0 : vector<200x5xf32>, vector<200x5xf32>, vector<200x5xf32>, vector<200x5xf32>, vector<200x5xf32>, vector<200x5xf32>, vector<200x5xf32>, vector<200x5xf32> -> vector<1600x5xf32>
    %slice3A_636 = vector.extract_strided_slice %add3A_255 {offsets = [0, 280], sizes = [200, 5], strides = [1, 1]} : vector<200x320xf32> to vector<200x5xf32>
    %slice3A_637 = vector.extract_strided_slice %add3A_255 {offsets = [0, 285], sizes = [200, 5], strides = [1, 1]} : vector<200x320xf32> to vector<200x5xf32>
    %slice3A_638 = vector.extract_strided_slice %add3A_255 {offsets = [0, 290], sizes = [200, 5], strides = [1, 1]} : vector<200x320xf32> to vector<200x5xf32>
    %slice3A_639 = vector.extract_strided_slice %add3A_255 {offsets = [0, 295], sizes = [200, 5], strides = [1, 1]} : vector<200x320xf32> to vector<200x5xf32>
    %slice3A_640 = vector.extract_strided_slice %add3A_255 {offsets = [0, 300], sizes = [200, 5], strides = [1, 1]} : vector<200x320xf32> to vector<200x5xf32>
    %slice3A_641 = vector.extract_strided_slice %add3A_255 {offsets = [0, 305], sizes = [200, 5], strides = [1, 1]} : vector<200x320xf32> to vector<200x5xf32>
    %slice3A_642 = vector.extract_strided_slice %add3A_255 {offsets = [0, 310], sizes = [200, 5], strides = [1, 1]} : vector<200x320xf32> to vector<200x5xf32>
    %slice3A_643 = vector.extract_strided_slice %add3A_255 {offsets = [0, 315], sizes = [200, 5], strides = [1, 1]} : vector<200x320xf32> to vector<200x5xf32>
    %concatenate3A_644 = tpu.concatenate %slice3A_636, %slice3A_637, %slice3A_638, %slice3A_639, %slice3A_640, %slice3A_641, %slice3A_642, %slice3A_643 in 0 : vector<200x5xf32>, vector<200x5xf32>, vector<200x5xf32>, vector<200x5xf32>, vector<200x5xf32>, vector<200x5xf32>, vector<200x5xf32>, vector<200x5xf32> -> vector<1600x5xf32>
    %dot_general3A_645 = arith.constant dense<0.000000e+00> : vector<1600x128xf32>
    %dot_general3A_646 = tpu.matmul %concatenate3A_635, %get3A_258, %dot_general3A_645 {dimension_numbers = #tpu.dot_dimension_numbers<[1], [0], [0], [1], [0, 0, 1, 1], [], []>, transpose_lhs_hint = false} : vector<1600x5xf32>, vector<5x128xf32>, vector<1600x128xf32> -> vector<1600x128xf32>
    %add3A_647 = vector.broadcast %get3A_261 : vector<1x128xf32> to vector<1600x128xf32>
    %add3A_648 = arith.addf %dot_general3A_646, %add3A_647 : vector<1600x128xf32>
    %max3A_649 = arith.constant 0.000000e+00 : f32
    %max3A_650 = vector.broadcast %max3A_649 : f32 to vector<1600x128xf32>
    %max3A_651 = arith.maximumf %add3A_648, %max3A_650 : vector<1600x128xf32>
    %dot_general3A_652 = arith.constant dense<0.000000e+00> : vector<1600x128xf32>
    %dot_general3A_653 = tpu.matmul %concatenate3A_644, %get3A_258, %dot_general3A_652 {dimension_numbers = #tpu.dot_dimension_numbers<[1], [0], [0], [1], [0, 0, 1, 1], [], []>, transpose_lhs_hint = false} : vector<1600x5xf32>, vector<5x128xf32>, vector<1600x128xf32> -> vector<1600x128xf32>
    %add3A_654 = vector.broadcast %get3A_261 : vector<1x128xf32> to vector<1600x128xf32>
    %add3A_655 = arith.addf %dot_general3A_653, %add3A_654 : vector<1600x128xf32>
    %add3A_656 = arith.addf %max3A_651, %add3A_655 : vector<1600x128xf32>
    %max3A_657 = arith.constant 0.000000e+00 : f32
    %max3A_658 = vector.broadcast %max3A_657 : f32 to vector<1600x128xf32>
    %max3A_659 = arith.maximumf %add3A_656, %max3A_658 : vector<1600x128xf32>
    %dot_general3A_660 = arith.constant dense<0.000000e+00> : vector<8x128xf32>
    %dot_general3A_661 = tpu.matmul %convert_element_type3A_300, %max3A_659, %dot_general3A_660 {dimension_numbers = #tpu.dot_dimension_numbers<[1], [0], [0], [1], [0, 0, 1, 1], [], []>, transpose_lhs_hint = false} : vector<8x1600xf32>, vector<1600x128xf32>, vector<8x128xf32> -> vector<8x128xf32>
    %slice3A_662 = vector.extract_strided_slice %get3A_270 {offsets = [56, 0], sizes = [8, 128], strides = [1, 1]} : vector<64x128xf32> to vector<8x128xf32>
    %mul3A_663 = arith.mulf %dot_general3A_661, %slice3A_662 : vector<8x128xf32>
    %mul3A_664 = arith.constant 2.000000e+00 : f32
    %mul3A_665 = vector.broadcast %mul3A_664 : f32 to vector<8x128xf32>
    %mul3A_666 = arith.mulf %mul3A_663, %mul3A_665 : vector<8x128xf32>
    %dot_general3A_667 = arith.constant dense<0.000000e+00> : vector<8x3xf32>
    %dot_general3A_668 = tpu.matmul %mul3A_666, %get3A_264, %dot_general3A_667 {dimension_numbers = #tpu.dot_dimension_numbers<[1], [0], [0], [1], [0, 0, 1, 1], [], []>, transpose_lhs_hint = false} : vector<8x128xf32>, vector<128x3xf32>, vector<8x3xf32> -> vector<8x3xf32>
    %add3A_669 = vector.broadcast %get3A_267 : vector<1x3xf32> to vector<8x3xf32>
    %add3A_670 = arith.addf %dot_general3A_668, %add3A_669 : vector<8x3xf32>
    %swap3A_671 = arith.constant 56 : index
    %swap3A_672 = arith.constant 0 : index
    %swap3A_673 = vector.load %arg16[%swap3A_671, %swap3A_672] : memref<64x3xf32, #tpu.memory_space<vmem>>, vector<8x3xf32>
    tpu.vector_store %arg16[%swap3A_671, %swap3A_672], %add3A_670 {strides = array<i32>} : memref<64x3xf32, #tpu.memory_space<vmem>>, vector<8x3xf32>,
    return
  }
}

</mosaic_0001>

<sc_bundles>
// kernel: kernel.4.cloned.1.call-start
scs
__scs_entry_jumppad:
0x0: {  	(pc) =	sbr.rel $0x88, $3  }
0x1: {  	(tag) =	ssettag $0x0;
	lr =	simm.s32 $0x1  }
0x2: {  	[smem:$0x3F97] =	sst lr;
	_ =	strace $0xD0000000  }
0x3: {  	_ = 	snop  }
0x4: {  	_ = 	snop  }
0x5: {  	_ = 	snop  }
0x6: {  	_ = 	snop  }
0x7: {  	_ = 	snop  }
__scs_overlays_trampoline_lowered:
0x8: {  	[smem:$0x3FA6] =	sst s0  }
0x9: {  	[smem:$0x3FA7] =	sst s1  }
0xa: {  	[smem:$0x3FA8] =	sst s2  }
0xb: {  	[smem:$0x3FA9] =	sst s3  }
0xc: {  	[smem:$0x3FAA] =	sst s4  }
0xd: {  	[smem:$0x3FAB] =	sst s5  }
0xe: {  	[smem:$0x3FAC] =	sst s6  }
0xf: {  	[smem:$0x3FAD] =	sst s7  }
0x10: {  	[smem:$0x3FAE] =	sst s8  }
0x11: {  	[smem:$0x3FAF] =	sst s9;
	s0 =	simm.s32 @!p0 $0x0  }
0x12: {  	s1 =	sld [smem:$0x3F95];
	s0 =	simm.s32 @p0 $0x1  }
0x13: {  	[smem:$0x3FB0] =	sst s0;
	s0 =	simm.s32 @!p1 $0x0  }
0x14: {  	s2 =	sld [smem:$0x3F94];
	s0 =	simm.s32 @p1 $0x1  }
0x15: {  	[smem:$0x3FB1] =	sst s0;
	s0 =	simm.s32 @!p2 $0x0  }
0x16: {  	s3 =	sld [smem:$0x3FDB];
	s0 =	simm.s32 @p2 $0x1  }
0x17: {  	s4 =	simm.s32 $0x1BF5;
	[smem:$0x3FB3] =	sst s0  }
0x18: {  	s0 =	sld [smem:$0x3F96];
	_ =	swait.ge [sflag:s4], $0x0  }
0x19: {  	s7 =	sld [smem:$0x3F97]  }
0x1a: {  	s8 =	sadd.s32 $0xFFFFE003, lr  }
0x1b: {  	s9 =	sadd.s32 $0xFFFFFEF7, lr;
	s5 =	simm.s32 $0xFFFFFFFF;
	p2 =	slt.u32 s8, $0xFFFFF086  }
0x1c: {  	p1 =	slt.u32 s9, $0xF7A;
	s5 =	simm.s32 @!p2 $0x0  }
0x1d: {  	s5 =	simm.s32 @p1 $0x1;
	p0 =	seq.s32 s7, s2  }
0x1e: {  	s7 =	smul.u32 @!p0 $0xF7A, s2;
	p2 =	seq.s32 @!p0 s5, $0x0  }
0x1f: {  	s9 =	smul.u32 $0xF7A, s1;
	s8 =	simm.s32 @!p0 $0x1BF5;
	p2 =	por !p2, p0  }
0x20: {  	[sflag:s8] =	ssyncset.s32 @!p0 $0xFFFFF086;
	s6 =	sadd.s32 @!p0 s3, s7;
	s7 =	simm.s32 @!p0 $0x108  }
0x21: {  	s3 =	sadd.s32 s3, s9;
	s6 =	sadd.s32 @!p0 $0x88, s6;
	s7 =	simm.s32 @p2 $0x1082  }
0x22: {  	[simem:s7], [sflag:s8] =	dma.local @!p0 [hbm:s6], $0xF7A  }
0x23: {  	s9 =	sor.u32 $0xD0000000, s2;
	s6 =	simm.s32 $0x108;
	_ =	swait.ge @!p0 [sflag:s8], $0x0  }
0x24: {  	s3 =	sadd.s32 $0x88, s3;
	s6 =	simm.s32 @!p1 $0x1082;
	[sflag:s4] =	ssyncset.s32 $0xFFFFF086  }
0x25: {  	[simem:s6], [sflag:s4] =	dma.local [hbm:s3], $0xF7A  }
0x26: {  	[smem:$0x3F97] =	sst s1;
	(tag) =	ssettag s2;
	_ =	strace s9  }
0x27: {  	s1 =	sld [smem:$0x3FA7]  }
0x28: {  	s2 =	sld [smem:$0x3FA8]  }
0x29: {  	s4 =	sld [smem:$0x3FAA]  }
0x2a: {  	p0 =	seq.s32 s5, $0x0;
	s5 =	sld [smem:$0x3FAB]  }
0x2b: {  	s6 =	sld [smem:$0x3FAC]  }
0x2c: {  	s7 =	sld [smem:$0x3FAD]  }
0x2d: {  	s3 =	simm.s32 $0x108;
	s8 =	sld [smem:$0x3FAE]  }
0x2e: {  	s3 =	simm.s32 @!p0 $0x1082;
	s9 =	sld [smem:$0x3FAF]  }
0x2f: {  	lr =	sadd.s32 s0, s3;
	s0 =	sld [smem:$0x3FA6]  }
0x30: {  	s3 =	sld [smem:$0x3FA9]  }
0x31: {  	[smem:$0x3FB2] =	sst s10  }
0x32: {  	s10 =	sld [smem:$0x3FB0];
	_ =	sdelay $0x3  }
0x33: {  	p0 =	seq.s32 s10, $0x1;
	s10 =	sld [smem:$0x3FB2];
	_ =	sdelay $0x3  }
0x34: {  	[smem:$0x3FB2] =	sst s10  }
0x35: {  	s10 =	sld [smem:$0x3FB1];
	_ =	sdelay $0x3  }
0x36: {  	p1 =	seq.s32 s10, $0x1;
	s10 =	sld [smem:$0x3FB2];
	_ =	sdelay $0x3  }
0x37: {  	[smem:$0x3FB2] =	sst s10  }
0x38: {  	s10 =	sld [smem:$0x3FB3]  }
0x39: {  	_ = 	snop;
	(pc) =	sbr.ind lr, $3  }
0x3a: {  	_ = 	snop  }
0x3b: {  	_ = 	snop  }
0x3c: {  	p2 =	seq.s32 s10, $0x1;
	s10 =	sld [smem:$0x3FB2]  }
0x3d: {  	_ =	shalt  }
0x3e: {  	_ =	shalt  }
0x3f: {  	_ =	shalt  }
0x40: {  	_ =	shalt  }
0x41: {  	_ =	shalt  }
0x42: {  	_ =	shalt  }
0x43: {  	_ =	shalt  }
0x44: {  	_ =	shalt  }
0x45: {  	_ =	shalt  }
0x46: {  	_ =	shalt  }
0x47: {  	_ =	shalt  }
0x48: {  	_ =	shalt  }
0x49: {  	_ =	shalt  }
0x4a: {  	_ =	shalt  }
0x4b: {  	_ =	shalt  }
0x4c: {  	_ =	shalt  }
0x4d: {  	_ =	shalt  }
0x4e: {  	_ =	shalt  }
0x4f: {  	_ =	shalt  }
0x50: {  	_ =	shalt  }
0x51: {  	_ =	shalt  }
0x52: {  	_ =	shalt  }
0x53: {  	_ =	shalt  }
0x54: {  	_ =	shalt  }
0x55: {  	_ =	shalt  }
0x56: {  	_ =	shalt  }
0x57: {  	_ =	shalt  }
0x58: {  	_ =	shalt  }
0x59: {  	_ =	shalt  }
0x5a: {  	_ =	shalt  }
0x5b: {  	_ =	shalt  }
0x5c: {  	_ =	shalt  }
0x5d: {  	_ =	shalt  }
0x5e: {  	_ =	shalt  }
0x5f: {  	_ =	shalt  }
0x60: {  	_ =	shalt  }
0x61: {  	_ =	shalt  }
0x62: {  	_ =	shalt  }
0x63: {  	_ =	shalt  }
0x64: {  	_ =	shalt  }
0x65: {  	_ =	shalt  }
0x66: {  	_ =	shalt  }
0x67: {  	_ =	shalt  }
0x68: {  	_ =	shalt  }
0x69: {  	_ =	shalt  }
0x6a: {  	_ =	shalt  }
0x6b: {  	_ =	shalt  }
0x6c: {  	_ =	shalt  }
0x6d: {  	_ =	shalt  }
0x6e: {  	_ =	shalt  }
0x6f: {  	_ =	shalt  }
0x70: {  	_ =	shalt  }
0x71: {  	_ =	shalt  }
0x72: {  	_ =	shalt  }
0x73: {  	_ =	shalt  }
0x74: {  	_ =	shalt  }
0x75: {  	_ =	shalt  }
0x76: {  	_ =	shalt  }
0x77: {  	_ =	shalt  }
0x78: {  	_ =	shalt  }
0x79: {  	_ =	shalt  }
0x7a: {  	_ =	shalt  }
0x7b: {  	_ =	shalt  }
0x7c: {  	_ =	shalt  }
0x7d: {  	_ =	shalt  }
0x7e: {  	_ =	shalt  }
0x7f: {  	_ =	shalt  }
0x80: {  	_ =	shalt  }
0x81: {  	_ =	shalt  }
0x82: {  	_ =	shalt  }
0x83: {  	_ =	shalt  }
0x84: {  	_ =	shalt  }
0x85: {  	_ =	shalt  }
0x86: {  	_ =	shalt  }
0x87: {  	_ =	shalt  }
.Lfunc_end0:
.L_simem_size_0:
called_computation_lowered:
.L_overlay_start_0:
0x88: {  	s2 =	sld [smem:$0x3FD9]  }
0x89: {  	s3 =	sld [smem:$0x3FFE];
	_ =	sdelay $0x1  }
0x8a: {  	s1 =	srdreg.scid  }
0x8b: {  	s0 =	sand.u32 $0x1, s1  }
0x8c: {  	s16 =	sshll.u32 s0, $0xA;
	s2 =	sadd.s32 s3, s2  }
0x8d: {  	s2 =	sadd.s32 s2, s16  }
0x8e: {  	[smem:$0x3FBE] =	sst s2  }
0x8f: {  	_ = 	snop  }
0x90: {  	(tm) =	ssettm $0x1  }
0x91: {  	s17 =	sld [smem:$0x3FFB];
	_ =	sdelay $0x3  }
0x92: {  	_ =	strace s17  }
0x93: {  	s2 =	sld [smem:$0x3FFC];
	_ =	sdelay $0x3  }
0x94: {  	_ =	strace s2  }
0x95: {  	s2 =	sld [smem:$0x3FFD];
	_ =	sdelay $0x3  }
0x96: {  	_ =	strace s2  }
0x97: {  	_ =	strace $0x8FFFFFFF  }
0x98: {  	s18 =	sld [smem:$0x3FDB];
	_ =	sdelay $0x1  }
0x99: {  	s19 =	simm.s32 $_scs_section_size  }
0x9a: {  	s4 =	simm.s32 $_size__tile_overlayer_lowered;
	s5 =	simm.s32 $_tile_overlayer_lowered  }
0x9b: {  	s22 =	simm.s32 $0x1BFF;
	s21 =	sshll.u32 s5, $0x1;
	s2 =	sadd.s32 s19, s18  }
0x9c: {  	s6 =	simm.s32 $0x0;
	s20 =	sshll.u32 s4, $0x1;
	s4 =	sadd.s32 s21, s2  }
0x9d: {  	[timem:s6], [sflag:s22] =	dma.local [hbm:s4], s20  }
0x9e: {  	_ =	swait.ge [sflag:s22], s20  }
0x9f: {  	s3 =	ssub.s32 $0x0, s20;
	[sflag:s22] =	ssyncset.done $0x0  }
0xa0: {  	[sflag:s22] =	ssyncadd.s32 s3;
	_ =	sdelay $0x1  }
0xa1: {  	s23 =	simm.s32 $0x1B8B  }
0xa2: {  	_ =	swait.ge [sflag:s23], $0x1  }
0xa3: {  	[sflag:s23] =	ssyncset.done $0x0  }
0xa4: {  	s25 =	simm.s32 $0x1B8E;
	s24 =	sld [smem:$0x3FFE];
	[sflag:s23] =	ssyncadd.s32 $0xFFFFFFFF  }
0xa5: {  	s26 =	simm.s32 $execute0_lowered;
	[smem:$0x3FD2] =	sst s25  }
0xa6: {  	s4 =	sshll.u32 s26, $0x1;
	_ =	strace $0x80000046;
	[dreg:$0x1] =	wrdreg $0xFFFFFFFF  }
0xa7: {  	s28 =	simm.s32 $_size_execute0_lowered;
	s2 =	sadd.s32 s2, s4;
	[dreg:$0x0] =	wrdreg $0x0  }
0xa8: {  	s4 =	sshll.u32 s28, $0x1;
	[dreg:$0x2] =	wrdreg s2  }
0xa9: {  	[dreg:$0x3] =	wrdreg s4  }
0xaa: {  	[dreg:$0x4] =	wrdreg $0xC0  }
0xab: {  	_ =	task [dreg:s6], $0x5FFFF  }
0xac: {  	[dreg:$0x1] =	wrdreg $0xFFFFFFFF  }
0xad: {  	[dreg:$0x0] =	wrdreg $0x60  }
0xae: {  	[dreg:$0x2] =	wrdreg s24  }
0xaf: {  	[dreg:$0x3] =	wrdreg $0x59000  }
0xb0: {  	[dreg:$0x4] =	wrdreg $0x9  }
0xb1: {  	_ =	task.clear_ibuf [dreg:s6], $0x5FFFF;
	_ =	strace $0x90000046  }
0xb2: {  	s29 =	simm.s32 $0x9;
	_ =	strace $0x80000048  }
0xb3: {  	_ =	swait.ge [sflag:s29], $0x1  }
0xb4: {  	[sflag:s29] =	ssyncadd.s32 $0xFFFFFFFF  }
0xb5: {  	_ =	strace $0x90000048  }
0xb6: {  	_ =	sfence  }
0xb7: {  	s30 =	sld [smem:$0x0];
	_ =	sdelay $0x2  }
0xb8: {  	s31 =	sshll.u32 s1, $0xD;
	s1 =	sshrl.u32 s1, $0x2  }
0xb9: {  	s3 =	sand.u32 $0x4000, s31;
	s1 =	sadd.s32 s1, s30  }
0xba: {  	s0 =	sor.u32 s3, s0;
	s1 =	sshll.u32 s1, $0x11  }
0xbb: {  	s0 =	sor.u32 s1, s0  }
0xbc: {  	s0 =	sadd.s32 $0x8F2B, s0  }
0xbd: {  	[sflag:s0] =	ssyncadd.remote.s32 $0x1  }
0xbe: {  	_ =	sfence.sel $0xFFFF  }
0xbf: {  	[dreg:$0x0] =	wrdreg $0xFFFFFFFF;
	(pc) =	sbr.abs _section_cstart, $3  }
0xc0: {  	[dreg:$0x1] =	wrdreg $0xFFFFFFFF  }
0xc1: {  	_ =	task.clear_ibuf [dreg:s6], $0x2FFFF;
	_ =	strace $0x9FFFFFFF  }
0xc2: {  	(tm) =	ssettm $0x7FFFFFFF  }
0xc3: {  	_ =	shalt  }
tec
execute0_lowered:
.L_overlay_start_1:
0x0: {  	(tag) =	ssettag $0x1  }
0x1: {  	s4 =	rddreg [dreg:$0x0];
	s0 =	srdreg.scid  }
0x2: {  	s5 =	stileid.u32;
	s1 =	rddreg [dreg:$0x1]  }
0x3: {  	s2 =	simm.s32 $0x0;
	s3 =	sand.u32 $0x1, s0;
	s6 =	sshll.u32 s5, $0x1  }
0x4: {  	s8 =	simm.s32 $0x1;
	s9 =	simm.s32 $0x4F00;
	s6 =	sor.u32 s3, s6  }
0x5: {  	s10 =	simm.s32 $0x5400;
	s0 =	rddreg [dreg:$0x2];
	s6 =	smul.u32 $0x9E, s6  }
0x6: {  	[smem:$0x7FF] =	sst s2;
	p0 =	sne.s32 s5, $0x0;
	s7 =	ssub.s32 $0x2, s3  }
0x7: {  	_ =	strace $0x80000047;
	s31 =	sshrl.u32 s7, $0x1;
	s6 =	sadd.s32 s6, s4  }
0x8: {  	s3 =	sadd.s32 $0x1800, s4;
	s7 =	ssub.s32 s7, s31;
	s4 =	sadd.s32 $0x2200, s6  }
0x9: {  	s5 =	sadd.s32 $0x3600, s6;
	s6 =	smax.u32 s7, $0x1;
	s7 =	sshrl.u32 @!p0 s1, $0x3  }
.LBB2_1:
0xa: {  	s11 =	simm.s32 @!p0 $0x1C01  }
0xb: {  	[spmem:s7], [sflag:s11] =	dma.local @!p0 [hbm:s3], $0x9E0  }
0xc: {  	s11 =	simm.s32 @!p0 $0x1  }
0xd: {  	_ =	swait.ge @!p0 [sflag:s11], $0x9E0  }
0xe: {  	[sflag:s11] =	ssyncset.done @!p0 $0x0  }
0xf: {  	[sflag:s11] =	ssyncadd.s32 @!p0 $0xFFFFF620  }
0x10: {  	[bflag:$0x0] =	sbarrier.arrive $0xFFFF  }
0x11: {  	[tilespmem:s2], [sflag:$0x1] =	stream.linear.gather [spmem:s1], $0x4F00, $0x38;
	[tilespmem:$0x5DF0] =	vst v63  }
0x12: {  	_ =	swait.ge [sflag:s8], $0x4F00  }
0x13: {  	[sflag:s8] =	ssyncset.done $0x0  }
0x14: {  	[sflag:s8] =	ssyncadd.s32 $0xFFFFB100  }
0x15: {  	[tilespmem:s9], [sflag:$0x1] =	stream.linear.gather [hbm4b:s4+s2], $0x4F0, $0x38;
	[tilespmem:$0x5DF0] =	vst v63  }
0x16: {  	_ =	swait.ge [sflag:s8], $0x4F0  }
0x17: {  	[sflag:s8] =	ssyncset.done $0x0  }
0x18: {  	[sflag:s8] =	ssyncadd.s32 $0xFFFFFB10  }
0x19: {  	v0 =	vld [tilespmem:$0x4F00];
	_ =	sdelay $0x5  }
0x1a: {  	v1 =	vld [tilespmem:$0x4F10];
	_ =	sdelay $0x1  }
0x1b: {  	v0 =	vld.idx.msk [tilespmem:v0+s2+$0x0], $0xffff;
	_ =	sdelay $0x3  }
0x1c: {  	v2 =	vld [tilespmem:$0x4F20]  }
0x1d: {  	[tilespmem:$0x5400] =	vst v0  }
0x1e: {  	v0 =	vld.idx.msk [tilespmem:v1+s2+$0x0], $0xffff;
	_ =	sdelay $0x3  }
0x1f: {  	v48 =	vld [tilespmem:$0x4F30]  }
0x20: {  	[tilespmem:$0x5410] =	vst v0  }
0x21: {  	v0 =	vld.idx.msk [tilespmem:v2+s2+$0x0], $0xffff;
	_ =	sdelay $0x3  }
0x22: {  	v49 =	vld [tilespmem:$0x4F40]  }
0x23: {  	[tilespmem:$0x5420] =	vst v0  }
0x24: {  	v0 =	vld.idx.msk [tilespmem:v48+s2+$0x0], $0xffff;
	_ =	sdelay $0x3  }
0x25: {  	v50 =	vld [tilespmem:$0x4F50]  }
0x26: {  	[tilespmem:$0x5430] =	vst v0  }
0x27: {  	v0 =	vld.idx.msk [tilespmem:v49+s2+$0x0], $0xffff;
	_ =	sdelay $0x3  }
0x28: {  	v51 =	vld [tilespmem:$0x4F60]  }
0x29: {  	[tilespmem:$0x5440] =	vst v0  }
0x2a: {  	v0 =	vld.idx.msk [tilespmem:v50+s2+$0x0], $0xffff;
	_ =	sdelay $0x3  }
0x2b: {  	v52 =	vld [tilespmem:$0x4F70]  }
0x2c: {  	[tilespmem:$0x5450] =	vst v0  }
0x2d: {  	v0 =	vld.idx.msk [tilespmem:v51+s2+$0x0], $0xffff;
	_ =	sdelay $0x3  }
0x2e: {  	v53 =	vld [tilespmem:$0x4F80]  }
0x2f: {  	[tilespmem:$0x5460] =	vst v0  }
0x30: {  	v0 =	vld.idx.msk [tilespmem:v52+s2+$0x0], $0xffff;
	_ =	sdelay $0x3  }
0x31: {  	v54 =	vld [tilespmem:$0x4F90]  }
0x32: {  	[tilespmem:$0x5470] =	vst v0  }
0x33: {  	v0 =	vld.idx.msk [tilespmem:v53+s2+$0x0], $0xffff;
	_ =	sdelay $0x3  }
0x34: {  	v55 =	vld [tilespmem:$0x4FA0]  }
0x35: {  	[tilespmem:$0x5480] =	vst v0  }
0x36: {  	v0 =	vld.idx.msk [tilespmem:v54+s2+$0x0], $0xffff;
	_ =	sdelay $0x3  }
0x37: {  	v56 =	vld [tilespmem:$0x4FB0]  }
0x38: {  	[tilespmem:$0x5490] =	vst v0  }
0x39: {  	v0 =	vld.idx.msk [tilespmem:v55+s2+$0x0], $0xffff;
	_ =	sdelay $0x3  }
0x3a: {  	v57 =	vld [tilespmem:$0x4FC0]  }
0x3b: {  	[tilespmem:$0x54A0] =	vst v0  }
0x3c: {  	v0 =	vld.idx.msk [tilespmem:v56+s2+$0x0], $0xffff;
	_ =	sdelay $0x3  }
0x3d: {  	v58 =	vld [tilespmem:$0x4FD0]  }
0x3e: {  	[tilespmem:$0x54B0] =	vst v0  }
0x3f: {  	v0 =	vld.idx.msk [tilespmem:v57+s2+$0x0], $0xffff;
	_ =	sdelay $0x3  }
0x40: {  	v59 =	vld [tilespmem:$0x4FE0]  }
0x41: {  	[tilespmem:$0x54C0] =	vst v0  }
0x42: {  	v0 =	vld.idx.msk [tilespmem:v58+s2+$0x0], $0xffff;
	_ =	sdelay $0x3  }
0x43: {  	v60 =	vld [tilespmem:$0x4FF0]  }
0x44: {  	[tilespmem:$0x54D0] =	vst v0  }
0x45: {  	v0 =	vld.idx.msk [tilespmem:v59+s2+$0x0], $0xffff;
	_ =	sdelay $0x3  }
0x46: {  	v61 =	vld [tilespmem:$0x5000]  }
0x47: {  	[tilespmem:$0x54E0] =	vst v0  }
0x48: {  	v0 =	vld.idx.msk [tilespmem:v60+s2+$0x0], $0xffff;
	_ =	sdelay $0x3  }
0x49: {  	v62 =	vld [tilespmem:$0x5010]  }
0x4a: {  	[tilespmem:$0x54F0] =	vst v0  }
0x4b: {  	v0 =	vld.idx.msk [tilespmem:v61+s2+$0x0], $0xffff;
	_ =	sdelay $0x3  }
0x4c: {  	v63 =	vld [tilespmem:$0x5020]  }
0x4d: {  	[tilespmem:$0x5500] =	vst v0  }
0x4e: {  	v0 =	vld.idx.msk [tilespmem:v62+s2+$0x0], $0xffff;
	_ =	sdelay $0x3  }
0x4f: {  	v4 =	vld [tilespmem:$0x5030]  }
0x50: {  	[tilespmem:$0x5510] =	vst v0  }
0x51: {  	v0 =	vld.idx.msk [tilespmem:v63+s2+$0x0], $0xffff;
	_ =	sdelay $0x3  }
0x52: {  	v5 =	vld [tilespmem:$0x5040]  }
0x53: {  	[tilespmem:$0x5520] =	vst v0  }
0x54: {  	v0 =	vld.idx.msk [tilespmem:v4+s2+$0x0], $0xffff;
	_ =	sdelay $0x3  }
0x55: {  	v6 =	vld [tilespmem:$0x5050]  }
0x56: {  	[tilespmem:$0x5530] =	vst v0  }
0x57: {  	v0 =	vld.idx.msk [tilespmem:v5+s2+$0x0], $0xffff;
	_ =	sdelay $0x3  }
0x58: {  	v7 =	vld [tilespmem:$0x5060]  }
0x59: {  	[tilespmem:$0x5540] =	vst v0  }
0x5a: {  	v0 =	vld.idx.msk [tilespmem:v6+s2+$0x0], $0xffff;
	_ =	sdelay $0x3  }
0x5b: {  	v8 =	vld [tilespmem:$0x5070]  }
0x5c: {  	[tilespmem:$0x5550] =	vst v0  }
0x5d: {  	v0 =	vld.idx.msk [tilespmem:v7+s2+$0x0], $0xffff;
	_ =	sdelay $0x3  }
0x5e: {  	v9 =	vld [tilespmem:$0x5080]  }
0x5f: {  	[tilespmem:$0x5560] =	vst v0  }
0x60: {  	v0 =	vld.idx.msk [tilespmem:v8+s2+$0x0], $0xffff;
	_ =	sdelay $0x3  }
0x61: {  	v10 =	vld [tilespmem:$0x5090]  }
0x62: {  	[tilespmem:$0x5570] =	vst v0  }
0x63: {  	v0 =	vld.idx.msk [tilespmem:v9+s2+$0x0], $0xffff;
	_ =	sdelay $0x3  }
0x64: {  	v11 =	vld [tilespmem:$0x50A0]  }
0x65: {  	[tilespmem:$0x5580] =	vst v0  }
0x66: {  	v0 =	vld.idx.msk [tilespmem:v10+s2+$0x0], $0xffff;
	_ =	sdelay $0x3  }
0x67: {  	v12 =	vld [tilespmem:$0x50B0]  }
0x68: {  	[tilespmem:$0x5590] =	vst v0  }
0x69: {  	v0 =	vld.idx.msk [tilespmem:v11+s2+$0x0], $0xffff;
	_ =	sdelay $0x3  }
0x6a: {  	v13 =	vld [tilespmem:$0x50C0]  }
0x6b: {  	[tilespmem:$0x55A0] =	vst v0  }
0x6c: {  	v0 =	vld.idx.msk [tilespmem:v12+s2+$0x0], $0xffff;
	_ =	sdelay $0x3  }
0x6d: {  	v14 =	vld [tilespmem:$0x50D0]  }
0x6e: {  	[tilespmem:$0x55B0] =	vst v0  }
0x6f: {  	v0 =	vld.idx.msk [tilespmem:v13+s2+$0x0], $0xffff;
	_ =	sdelay $0x3  }
0x70: {  	v15 =	vld [tilespmem:$0x50E0]  }
0x71: {  	[tilespmem:$0x55C0] =	vst v0  }
0x72: {  	v0 =	vld.idx.msk [tilespmem:v14+s2+$0x0], $0xffff;
	_ =	sdelay $0x3  }
0x73: {  	v16 =	vld [tilespmem:$0x50F0]  }
0x74: {  	[tilespmem:$0x55D0] =	vst v0  }
0x75: {  	v0 =	vld.idx.msk [tilespmem:v15+s2+$0x0], $0xffff;
	_ =	sdelay $0x3  }
0x76: {  	v17 =	vld [tilespmem:$0x5100]  }
0x77: {  	[tilespmem:$0x55E0] =	vst v0  }
0x78: {  	v0 =	vld.idx.msk [tilespmem:v16+s2+$0x0], $0xffff;
	_ =	sdelay $0x3  }
0x79: {  	v18 =	vld [tilespmem:$0x5110]  }
0x7a: {  	[tilespmem:$0x55F0] =	vst v0  }
0x7b: {  	v0 =	vld.idx.msk [tilespmem:v17+s2+$0x0], $0xffff;
	_ =	sdelay $0x3  }
0x7c: {  	v19 =	vld [tilespmem:$0x5120]  }
0x7d: {  	[tilespmem:$0x5600] =	vst v0  }
0x7e: {  	v0 =	vld.idx.msk [tilespmem:v18+s2+$0x0], $0xffff;
	_ =	sdelay $0x3  }
0x7f: {  	v20 =	vld [tilespmem:$0x5130]  }
0x80: {  	[tilespmem:$0x5610] =	vst v0  }
0x81: {  	v0 =	vld.idx.msk [tilespmem:v19+s2+$0x0], $0xffff;
	_ =	sdelay $0x3  }
0x82: {  	v21 =	vld [tilespmem:$0x5140]  }
0x83: {  	[tilespmem:$0x5620] =	vst v0  }
0x84: {  	v0 =	vld.idx.msk [tilespmem:v20+s2+$0x0], $0xffff;
	_ =	sdelay $0x3  }
0x85: {  	v22 =	vld [tilespmem:$0x5150]  }
0x86: {  	[tilespmem:$0x5630] =	vst v0  }
0x87: {  	v0 =	vld.idx.msk [tilespmem:v21+s2+$0x0], $0xffff;
	_ =	sdelay $0x3  }
0x88: {  	v23 =	vld [tilespmem:$0x5160]  }
0x89: {  	[tilespmem:$0x5640] =	vst v0  }
0x8a: {  	v0 =	vld.idx.msk [tilespmem:v22+s2+$0x0], $0xffff;
	_ =	sdelay $0x3  }
0x8b: {  	v24 =	vld [tilespmem:$0x5170]  }
0x8c: {  	[tilespmem:$0x5650] =	vst v0  }
0x8d: {  	v0 =	vld.idx.msk [tilespmem:v23+s2+$0x0], $0xffff;
	_ =	sdelay $0x3  }
0x8e: {  	v25 =	vld [tilespmem:$0x5180]  }
0x8f: {  	[tilespmem:$0x5660] =	vst v0  }
0x90: {  	v0 =	vld.idx.msk [tilespmem:v24+s2+$0x0], $0xffff;
	_ =	sdelay $0x3  }
0x91: {  	v26 =	vld [tilespmem:$0x5190]  }
0x92: {  	[tilespmem:$0x5670] =	vst v0  }
0x93: {  	v0 =	vld.idx.msk [tilespmem:v25+s2+$0x0], $0xffff;
	_ =	sdelay $0x3  }
0x94: {  	v27 =	vld [tilespmem:$0x51A0]  }
0x95: {  	[tilespmem:$0x5680] =	vst v0  }
0x96: {  	v0 =	vld.idx.msk [tilespmem:v26+s2+$0x0], $0xffff;
	_ =	sdelay $0x3  }
0x97: {  	v28 =	vld [tilespmem:$0x51B0]  }
0x98: {  	[tilespmem:$0x5690] =	vst v0  }
0x99: {  	v0 =	vld.idx.msk [tilespmem:v27+s2+$0x0], $0xffff;
	_ =	sdelay $0x3  }
0x9a: {  	v29 =	vld [tilespmem:$0x51C0]  }
0x9b: {  	[tilespmem:$0x56A0] =	vst v0  }
0x9c: {  	v0 =	vld.idx.msk [tilespmem:v28+s2+$0x0], $0xffff;
	_ =	sdelay $0x3  }
0x9d: {  	v30 =	vld [tilespmem:$0x51D0]  }
0x9e: {  	[tilespmem:$0x56B0] =	vst v0  }
0x9f: {  	v0 =	vld.idx.msk [tilespmem:v29+s2+$0x0], $0xffff;
	_ =	sdelay $0x3  }
0xa0: {  	v31 =	vld [tilespmem:$0x51E0]  }
0xa1: {  	[tilespmem:$0x56C0] =	vst v0  }
0xa2: {  	v0 =	vld.idx.msk [tilespmem:v30+s2+$0x0], $0xffff;
	_ =	sdelay $0x3  }
0xa3: {  	v32 =	vld [tilespmem:$0x51F0]  }
0xa4: {  	[tilespmem:$0x56D0] =	vst v0  }
0xa5: {  	v0 =	vld.idx.msk [tilespmem:v31+s2+$0x0], $0xffff;
	_ =	sdelay $0x3  }
0xa6: {  	v33 =	vld [tilespmem:$0x5200]  }
0xa7: {  	[tilespmem:$0x56E0] =	vst v0  }
0xa8: {  	v0 =	vld.idx.msk [tilespmem:v32+s2+$0x0], $0xffff;
	_ =	sdelay $0x3  }
0xa9: {  	v34 =	vld [tilespmem:$0x5210]  }
0xaa: {  	[tilespmem:$0x56F0] =	vst v0  }
0xab: {  	v0 =	vld.idx.msk [tilespmem:v33+s2+$0x0], $0xffff;
	_ =	sdelay $0x3  }
0xac: {  	v35 =	vld [tilespmem:$0x5220]  }
0xad: {  	[tilespmem:$0x5700] =	vst v0  }
0xae: {  	v0 =	vld.idx.msk [tilespmem:v34+s2+$0x0], $0xffff;
	_ =	sdelay $0x3  }
0xaf: {  	v36 =	vld [tilespmem:$0x5230]  }
0xb0: {  	[tilespmem:$0x5710] =	vst v0  }
0xb1: {  	v0 =	vld.idx.msk [tilespmem:v35+s2+$0x0], $0xffff;
	_ =	sdelay $0x3  }
0xb2: {  	v37 =	vld [tilespmem:$0x5240]  }
0xb3: {  	[tilespmem:$0x5720] =	vst v0  }
0xb4: {  	v0 =	vld.idx.msk [tilespmem:v36+s2+$0x0], $0xffff;
	_ =	sdelay $0x3  }
0xb5: {  	v38 =	vld [tilespmem:$0x5250]  }
0xb6: {  	[tilespmem:$0x5730] =	vst v0  }
0xb7: {  	v0 =	vld.idx.msk [tilespmem:v37+s2+$0x0], $0xffff;
	_ =	sdelay $0x3  }
0xb8: {  	v39 =	vld [tilespmem:$0x5260]  }
0xb9: {  	[tilespmem:$0x5740] =	vst v0  }
0xba: {  	v0 =	vld.idx.msk [tilespmem:v38+s2+$0x0], $0xffff;
	_ =	sdelay $0x3  }
0xbb: {  	v40 =	vld [tilespmem:$0x5270]  }
0xbc: {  	[tilespmem:$0x5750] =	vst v0  }
0xbd: {  	v0 =	vld.idx.msk [tilespmem:v39+s2+$0x0], $0xffff;
	_ =	sdelay $0x3  }
0xbe: {  	v41 =	vld [tilespmem:$0x5280]  }
0xbf: {  	[tilespmem:$0x5760] =	vst v0  }
0xc0: {  	v0 =	vld.idx.msk [tilespmem:v40+s2+$0x0], $0xffff;
	_ =	sdelay $0x3  }
0xc1: {  	v42 =	vld [tilespmem:$0x5290]  }
0xc2: {  	[tilespmem:$0x5770] =	vst v0  }
0xc3: {  	v0 =	vld.idx.msk [tilespmem:v41+s2+$0x0], $0xffff;
	_ =	sdelay $0x3  }
0xc4: {  	v43 =	vld [tilespmem:$0x52A0]  }
0xc5: {  	[tilespmem:$0x5780] =	vst v0  }
0xc6: {  	v0 =	vld.idx.msk [tilespmem:v42+s2+$0x0], $0xffff;
	_ =	sdelay $0x3  }
0xc7: {  	v44 =	vld [tilespmem:$0x52B0]  }
0xc8: {  	[tilespmem:$0x5790] =	vst v0  }
0xc9: {  	v0 =	vld.idx.msk [tilespmem:v43+s2+$0x0], $0xffff;
	_ =	sdelay $0x3  }
0xca: {  	v45 =	vld [tilespmem:$0x52C0]  }
0xcb: {  	[tilespmem:$0x57A0] =	vst v0  }
0xcc: {  	v0 =	vld.idx.msk [tilespmem:v44+s2+$0x0], $0xffff;
	_ =	sdelay $0x3  }
0xcd: {  	v46 =	vld [tilespmem:$0x52D0]  }
0xce: {  	[tilespmem:$0x57B0] =	vst v0  }
0xcf: {  	v0 =	vld.idx.msk [tilespmem:v45+s2+$0x0], $0xffff;
	_ =	sdelay $0x3  }
0xd0: {  	v47 =	vld [tilespmem:$0x52E0]  }
0xd1: {  	[tilespmem:$0x57C0] =	vst v0  }
0xd2: {  	v0 =	vld.idx.msk [tilespmem:v46+s2+$0x0], $0xffff;
	_ =	sdelay $0x3  }
0xd3: {  	v48 =	vld [tilespmem:$0x52F0]  }
0xd4: {  	[tilespmem:$0x57D0] =	vst v0  }
0xd5: {  	v0 =	vld.idx.msk [tilespmem:v47+s2+$0x0], $0xffff;
	_ =	sdelay $0x3  }
0xd6: {  	v49 =	vld [tilespmem:$0x5300]  }
0xd7: {  	[tilespmem:$0x57E0] =	vst v0  }
0xd8: {  	v0 =	vld.idx.msk [tilespmem:v48+s2+$0x0], $0xffff;
	_ =	sdelay $0x3  }
0xd9: {  	v50 =	vld [tilespmem:$0x5310]  }
0xda: {  	[tilespmem:$0x57F0] =	vst v0  }
0xdb: {  	v0 =	vld.idx.msk [tilespmem:v49+s2+$0x0], $0xffff;
	_ =	sdelay $0x3  }
0xdc: {  	v51 =	vld [tilespmem:$0x5320]  }
0xdd: {  	[tilespmem:$0x5800] =	vst v0  }
0xde: {  	v0 =	vld.idx.msk [tilespmem:v50+s2+$0x0], $0xffff;
	_ =	sdelay $0x3  }
0xdf: {  	v52 =	vld [tilespmem:$0x5330]  }
0xe0: {  	[tilespmem:$0x5810] =	vst v0  }
0xe1: {  	v0 =	vld.idx.msk [tilespmem:v51+s2+$0x0], $0xffff;
	_ =	sdelay $0x3  }
0xe2: {  	v53 =	vld [tilespmem:$0x5340]  }
0xe3: {  	[tilespmem:$0x5820] =	vst v0  }
0xe4: {  	v0 =	vld.idx.msk [tilespmem:v52+s2+$0x0], $0xffff;
	_ =	sdelay $0x3  }
0xe5: {  	v54 =	vld [tilespmem:$0x5350]  }
0xe6: {  	[tilespmem:$0x5830] =	vst v0  }
0xe7: {  	v0 =	vld.idx.msk [tilespmem:v53+s2+$0x0], $0xffff;
	_ =	sdelay $0x3  }
0xe8: {  	v55 =	vld [tilespmem:$0x5360]  }
0xe9: {  	[tilespmem:$0x5840] =	vst v0  }
0xea: {  	v0 =	vld.idx.msk [tilespmem:v54+s2+$0x0], $0xffff;
	_ =	sdelay $0x3  }
0xeb: {  	v56 =	vld [tilespmem:$0x5370]  }
0xec: {  	[tilespmem:$0x5850] =	vst v0  }
0xed: {  	v0 =	vld.idx.msk [tilespmem:v55+s2+$0x0], $0xffff;
	_ =	sdelay $0x3  }
0xee: {  	v57 =	vld [tilespmem:$0x5380]  }
0xef: {  	[tilespmem:$0x5860] =	vst v0  }
0xf0: {  	v0 =	vld.idx.msk [tilespmem:v56+s2+$0x0], $0xffff;
	_ =	sdelay $0x3  }
0xf1: {  	v58 =	vld [tilespmem:$0x5390]  }
0xf2: {  	[tilespmem:$0x5870] =	vst v0  }
0xf3: {  	v0 =	vld.idx.msk [tilespmem:v57+s2+$0x0], $0xffff;
	_ =	sdelay $0x3  }
0xf4: {  	v59 =	vld [tilespmem:$0x53A0]  }
0xf5: {  	[tilespmem:$0x5880] =	vst v0  }
0xf6: {  	v0 =	vld.idx.msk [tilespmem:v58+s2+$0x0], $0xffff;
	_ =	sdelay $0x3  }
0xf7: {  	v60 =	vld [tilespmem:$0x53B0]  }
0xf8: {  	[tilespmem:$0x5890] =	vst v0  }
0xf9: {  	v0 =	vld.idx.msk [tilespmem:v59+s2+$0x0], $0xffff;
	_ =	sdelay $0x3  }
0xfa: {  	v61 =	vld [tilespmem:$0x53C0]  }
0xfb: {  	[tilespmem:$0x58A0] =	vst v0  }
0xfc: {  	v0 =	vld.idx.msk [tilespmem:v60+s2+$0x0], $0xffff;
	_ =	sdelay $0x3  }
0xfd: {  	v62 =	vld [tilespmem:$0x53D0]  }
0xfe: {  	[tilespmem:$0x58B0] =	vst v0  }
0xff: {  	v0 =	vld.idx.msk [tilespmem:v61+s2+$0x0], $0xffff;
	_ =	sdelay $0x3  }
0x100: {  	v63 =	vld [tilespmem:$0x53E0]  }
0x101: {  	[tilespmem:$0x58C0] =	vst v0  }
0x102: {  	v0 =	vld.idx.msk [tilespmem:v62+s2+$0x0], $0xffff;
	_ =	sdelay $0x4  }
0x103: {  	[tilespmem:$0x58D0] =	vst v0  }
0x104: {  	v0 =	vld.idx.msk [tilespmem:v63+s2+$0x0], $0xffff;
	_ =	sdelay $0x2  }
0x105: {  	s6 =	sadd.s32 $0xFFFFFFFF, s6  }
0x106: {  	p1 =	sne.s32 s6, $0x0  }
.Ltmp0:
0x107: {  	[tilespmem:$0x58E0] =	vst v0;
	(pc) =	sbr.rel @p1 .LBB2_1-.Ltmp0, $4  }
0x108: {  	[hbm4b:s5+s2] =	stream.linear.scatter [tilespmem:s10], [sflag:$0x1], $0x4F0, $0x38;
	[tilespmem:$0x5DF0] =	vst v63  }
0x109: {  	_ =	swait.ge [sflag:s8], $0x4F0  }
0x10a: {  	[sflag:s8] =	ssyncset.done $0x0  }
0x10b: {  	[sflag:s8] =	ssyncadd.s32 $0xFFFFFB10  }
0x10c: {  	_ =	sfence.sel $0x180000  }
0x10d: {  	[bflag:$0x0] =	sbarrier.arrive $0xFFFF  }
0x10e: {  	_ =	strace $0x90000047  }
0x10f: {  	s0 =	sadd.s32 @!p0 $0x100000, s0;
	[bflag:$0x2] =	sbarrier.arrive $0xFFFF  }
0x110: {  	[sflag:s0] =	ssyncadd.tile.s32 @!p0 $0x1;
	_ =	shalt  }
.Lfunc_end2:
_tile_overlayer_lowered:
.L_overlay_start_2:
0x111: {  	(tag) =	ssettag $0x2  }
0x112: {  	s0 =	rddreg [dreg:$0x0];
	s2 =	stileid.u32  }
0x113: {  	s1 =	rddreg [dreg:$0x1];
	p0 =	sne.s32 s2, $0x0  }
0x114: {  	s3 =	rddreg [dreg:$0x2];
	[bflag:$0x3] =	sbarrier.arrive $0xFFFF;
	s2 =	simm.s32 @!p0 $0x1C01  }
0x115: {  	[timem:s3], [sflag:s2] =	dma.local @!p0 [hbm:s0], s1  }
0x116: {  	s0 =	simm.s32 @!p0 $0x1  }
0x117: {  	_ =	swait.ge @!p0 [sflag:s0], s1  }
0x118: {  	s1 =	ssub.s32 @!p0 $0x0, s1;
	[sflag:s0] =	ssyncset.done @!p0 $0x0  }
0x119: {  	[sflag:s0] =	ssyncadd.s32 @!p0 s1  }
0x11a: {  	[bflag:$0x3] =	sbarrier.arrive $0xFFFF  }
0x11b: {  	_ =	shalt  }

</sc_bundles>
